<compile_context>
chip_gen: v7x
topology: tpu7x:2x2x1
jax: 0.10.2.dev20260603
libtpu: 0.0.44.dev20260713+nightly
codegen_flags: <defaults>
</compile_context>

<pallas_src>
import jax
import jax.numpy as jnp
from jax import lax
from jax.experimental import pallas as pl
from jax.experimental.pallas import tpu as pltpu

_B, _M, _N, _H, _C = 1, 2048, 2048, 8, 32
_DIM = _H * _C
_BL = 128
_K = 16
_TEMP = 1.0 / (_C ** 0.5)


def _attn_body(q_ref, kt_ref, v_ref, wt_ref, b_ref, qv_ref,
               a_ref, msg_ref, topk_ref):
    qb = q_ref[...]

    amean = jnp.zeros((_BL, _N), dtype=jnp.float32)
    mh_list = []
    for h in range(_H):
        qh = qb[:, h * _C:(h + 1) * _C]
        kh = kt_ref[h * _C:(h + 1) * _C, :]
        qk = jnp.dot(qh, kh, preferred_element_type=jnp.float32)
        eh = jnp.exp(_TEMP * qk)
        ah = eh * (1.0 / jnp.sum(eh, axis=1, keepdims=True))
        a_ref[h] = ah
        amean = amean + ah
        vh = v_ref[:, h * _C:(h + 1) * _C]
        mh_list.append(jnp.dot(ah, vh, preferred_element_type=jnp.float32))
    amean = amean * (1.0 / _H)

    mcat = jnp.concatenate(mh_list, axis=1)
    msg = jnp.dot(mcat, wt_ref[...], preferred_element_type=jnp.float32)
    msg_ref[...] = msg + b_ref[...] + qv_ref[...]

    x = amean
    iota = lax.broadcasted_iota(jnp.int32, (_BL, _N), 1)
    idx_list = []
    for _ in range(_K):
        m = jnp.max(x, axis=1, keepdims=True)
        am = jnp.min(jnp.where(x == m, iota, _N), axis=1, keepdims=True)
        idx_list.append(am)
        x = jnp.where(iota == am, -1.0, x)
    topk_ref[...] = jnp.concatenate(idx_list, axis=1)


def kernel(query, key, value, q_value, W_proj, b_proj, topk):
    del topk
    q2 = query.reshape(_M, _DIM)
    kt = key.reshape(_N, _DIM).T
    v2 = value.reshape(_N, _DIM)
    qv2 = q_value.reshape(_M, _DIM)
    wt = W_proj.T
    b2 = b_proj.reshape(1, _DIM)

    grid = (_M // _BL,)
    a3, msg, tk = pl.pallas_call(
        _attn_body,
        grid=grid,
        in_specs=[
            pl.BlockSpec((_BL, _DIM), lambda i: (i, 0)),
            pl.BlockSpec((_DIM, _N), lambda i: (0, 0)),
            pl.BlockSpec((_N, _DIM), lambda i: (0, 0)),
            pl.BlockSpec((_DIM, _DIM), lambda i: (0, 0)),
            pl.BlockSpec((1, _DIM), lambda i: (0, 0)),
            pl.BlockSpec((_BL, _DIM), lambda i: (i, 0)),
        ],
        out_specs=[
            pl.BlockSpec((_H, _BL, _N), lambda i: (0, i, 0)),
            pl.BlockSpec((_BL, _DIM), lambda i: (i, 0)),
            pl.BlockSpec((_BL, _K), lambda i: (i, 0)),
        ],
        out_shape=[
            jax.ShapeDtypeStruct((_H, _M, _N), jnp.float32),
            jax.ShapeDtypeStruct((_M, _DIM), jnp.float32),
            jax.ShapeDtypeStruct((_M, _K), jnp.int32),
        ],
        compiler_params=pltpu.CompilerParams(
            dimension_semantics=("parallel",),
        ),
    )(q2, kt, v2, wt, b2, qv2)

    A = jnp.transpose(a3, (1, 2, 0)).reshape(_B, _M, _N, _H)
    return (A, msg, tk)

# --- scband reference (transcript-rebuilt; emitter-appended) ---
"""Pipeline reference for scband-qtatt-b-cross-55602646614240 (READ-ONLY COPY).

The authoritative reference and input builder live on the scoring server;
editing this copy changes nothing except your own understanding.
"""

import jax, jax.numpy as jnp
import numpy as np

B, M, N, H, C = 1, 2048, 2048, 8, 32
DIM = H * C

def setup_inputs() -> dict:
    key0 = jax.random.key(0)
    ks = jax.random.split(key0, 6)
    return {
        "query": jax.random.normal(ks[0], (B, M, H, C), dtype=jnp.float32),
        "key": jax.random.normal(ks[1], (B, N, H, C), dtype=jnp.float32),
        "value": jax.random.normal(ks[2], (B, N, H, C), dtype=jnp.float32),
        "q_value": jax.random.normal(ks[3], (B, M, H, C), dtype=jnp.float32),
        "W_proj": jax.random.normal(ks[4], (DIM, DIM), dtype=jnp.float32) * 0.02,
        "b_proj": jnp.zeros((DIM,), dtype=jnp.float32),
        "topk": 16,
    }

def reference(query, key, value, q_value, W_proj, b_proj, topk):
    # Faithful translation of QTAttB_cross.process_coarse_level (eval mode, dropout = identity)
    Bq, Mq, Hq, Cq = query.shape
    # QK: einsum('nlhd,nshd->nlsh')
    QK = jnp.einsum('nlhd,nshd->nlsh', query, key)
    softmax_temp = 1.0 / (Cq ** 0.5)
    # softmax over the key dimension s (dim=-2)
    A = jax.nn.softmax(softmax_temp * QK, axis=-2)
    # mean over heads (dim=-1), then top-k over keys (dim=-1 of A_mean)
    A_mean = jnp.mean(A, axis=-1)
    topk_score, topk_idx = jax.lax.top_k(A_mean, 16)
    topk_idx = topk_idx + (topk - topk)
    # attn_drop is identity in eval / p=0
    message = jnp.einsum('nlsh,nshd->nlhd', A, value).reshape(Bq, Mq, Hq * Cq)
    # self.proj: Linear(dim, dim)
    message = message @ W_proj.T + b_proj
    qv = q_value.reshape(Bq, Mq, Hq * Cq)
    message = qv + message
    message = jnp.squeeze(message, axis=0)
    topk_idx = jnp.squeeze(topk_idx, axis=0)
    return (A, message, topk_idx)

if __name__ == "__main__":
    import jax
    _d = setup_inputs()
    print(jax.jit(kernel)(*tuple(_d.values())))

</pallas_src>

<mosaic_0001>
module attributes {stable_mosaic.version = 14 : i64} {
  func.func @_attn_body(%arg0: i32, %arg1: memref<128x256xf32, #tpu.memory_space<vmem>>, %arg2: memref<256x2048xf32, #tpu.memory_space<vmem>>, %arg3: memref<2048x256xf32, #tpu.memory_space<vmem>>, %arg4: memref<256x256xf32, #tpu.memory_space<vmem>>, %arg5: memref<1x256xf32, #tpu.memory_space<vmem>>, %arg6: memref<128x256xf32, #tpu.memory_space<vmem>>, %arg7: memref<8x128x2048xf32, #tpu.memory_space<vmem>>, %arg8: memref<128x256xf32, #tpu.memory_space<vmem>>, %arg9: memref<128x16xi32, #tpu.memory_space<vmem>>) attributes {dimension_semantics = [#tpu.dimension_semantics<parallel>], iteration_bounds = array<i64: 16>, scalar_prefetch = 0 : i64, scratch_operands = 0 : i64, tpu.core_type = #tpu.core_type<tc>, window_params = [{transform_indices = @transform_0, window_bounds = array<i64: 128, 256>}, {pipeline_mode = #tpu.pipeline_mode<synchronous>, transform_indices = @transform_1, window_bounds = array<i64: 256, 2048>}, {pipeline_mode = #tpu.pipeline_mode<synchronous>, transform_indices = @transform_2, window_bounds = array<i64: 2048, 256>}, {pipeline_mode = #tpu.pipeline_mode<synchronous>, transform_indices = @transform_3, window_bounds = array<i64: 256, 256>}, {pipeline_mode = #tpu.pipeline_mode<synchronous>, transform_indices = @transform_4, window_bounds = array<i64: 1, 256>}, {transform_indices = @transform_5, window_bounds = array<i64: 128, 256>}, {transform_indices = @transform_6, window_bounds = array<i64: 8, 128, 2048>}, {transform_indices = @transform_7, window_bounds = array<i64: 128, 256>}, {transform_indices = @transform_8, window_bounds = array<i64: 128, 16>}]} {
    %get3A = arith.constant 0 : index
    %get3A_0 = arith.constant 0 : index
    %get3A_1 = vector.load %arg1[%get3A, %get3A_0] : memref<128x256xf32, #tpu.memory_space<vmem>>, vector<128x256xf32>
    %broadcast_in_dim3A = arith.constant 0.000000e+00 : f32
    %broadcast_in_dim3A_2 = vector.broadcast %broadcast_in_dim3A : f32 to vector<128x2048xf32>
    %slice3A = vector.extract_strided_slice %get3A_1 {offsets = [0, 0], sizes = [128, 32], strides = [1, 1]} : vector<128x256xf32> to vector<128x32xf32>
    %get3A_3 = arith.constant 0 : index
    %get3A_4 = arith.constant 0 : index
    %get3A_5 = vector.load %arg2[%get3A_3, %get3A_4] : memref<256x2048xf32, #tpu.memory_space<vmem>>, vector<32x2048xf32>
    %dot_general3A = arith.constant dense<0.000000e+00> : vector<128x2048xf32>
    %dot_general3A_6 = tpu.matmul %slice3A, %get3A_5, %dot_general3A {dimension_numbers = #tpu.dot_dimension_numbers<[1], [0], [0], [1], [0, 0, 1, 1], [], []>, transpose_lhs_hint = false} : vector<128x32xf32>, vector<32x2048xf32>, vector<128x2048xf32> -> vector<128x2048xf32>
    %mul3A = arith.constant 0.176776692 : f32
    %mul3A_7 = vector.broadcast %mul3A : f32 to vector<128x2048xf32>
    %mul3A_8 = arith.mulf %mul3A_7, %dot_general3A_6 : vector<128x2048xf32>
    %exp3A = math.exp %mul3A_8 : vector<128x2048xf32>
    %reduce_sum3A = arith.constant dense<0.000000e+00> : vector<128xf32>
    %reduce_sum3A_9 = vector.multi_reduction <add>, %exp3A, %reduce_sum3A [1] : vector<128x2048xf32> to vector<128xf32>
    %broadcast_in_dim3A_10 = vector.shape_cast %reduce_sum3A_9 : vector<128xf32> to vector<128x1xf32>
    %div3A = arith.constant 1.000000e+00 : f32
    %div3A_11 = vector.broadcast %div3A : f32 to vector<128x1xf32>
    %div3A_12 = arith.divf %div3A_11, %broadcast_in_dim3A_10 : vector<128x1xf32>
    %mul3A_13 = vector.broadcast %div3A_12 : vector<128x1xf32> to vector<128x2048xf32>
    %mul3A_14 = arith.mulf %exp3A, %mul3A_13 : vector<128x2048xf32>
    %swap3A = arith.constant 0 : index
    %swap3A_15 = arith.constant 0 : index
    %swap3A_16 = arith.constant 0 : index
    %swap3A_17 = vector.load %arg7[%swap3A, %swap3A_15, %swap3A_16] : memref<8x128x2048xf32, #tpu.memory_space<vmem>>, vector<1x128x2048xf32>
    %swap3A_18 = vector.shape_cast %swap3A_17 : vector<1x128x2048xf32> to vector<128x2048xf32>
    %swap3A_19 = vector.shape_cast %mul3A_14 : vector<128x2048xf32> to vector<1x128x2048xf32>
    tpu.vector_store %arg7[%swap3A, %swap3A_15, %swap3A_16], %swap3A_19 {strides = array<i32>} : memref<8x128x2048xf32, #tpu.memory_space<vmem>>, vector<1x128x2048xf32>,
    %add3A = arith.addf %broadcast_in_dim3A_2, %mul3A_14 : vector<128x2048xf32>
    %get3A_20 = arith.constant 0 : index
    %get3A_21 = arith.constant 0 : index
    %get3A_22 = vector.load %arg3[%get3A_20, %get3A_21] : memref<2048x256xf32, #tpu.memory_space<vmem>>, vector<2048x32xf32>
    %dot_general3A_23 = arith.constant dense<0.000000e+00> : vector<128x32xf32>
    %dot_general3A_24 = tpu.matmul %mul3A_14, %get3A_22, %dot_general3A_23 {dimension_numbers = #tpu.dot_dimension_numbers<[1], [0], [0], [1], [0, 0, 1, 1], [], []>, transpose_lhs_hint = false} : vector<128x2048xf32>, vector<2048x32xf32>, vector<128x32xf32> -> vector<128x32xf32>
    %slice3A_25 = vector.extract_strided_slice %get3A_1 {offsets = [0, 32], sizes = [128, 32], strides = [1, 1]} : vector<128x256xf32> to vector<128x32xf32>
    %get3A_26 = arith.constant 32 : index
    %get3A_27 = arith.constant 0 : index
    %get3A_28 = vector.load %arg2[%get3A_26, %get3A_27] : memref<256x2048xf32, #tpu.memory_space<vmem>>, vector<32x2048xf32>
    %dot_general3A_29 = arith.constant dense<0.000000e+00> : vector<128x2048xf32>
    %dot_general3A_30 = tpu.matmul %slice3A_25, %get3A_28, %dot_general3A_29 {dimension_numbers = #tpu.dot_dimension_numbers<[1], [0], [0], [1], [0, 0, 1, 1], [], []>, transpose_lhs_hint = false} : vector<128x32xf32>, vector<32x2048xf32>, vector<128x2048xf32> -> vector<128x2048xf32>
    %mul3A_31 = arith.constant 0.176776692 : f32
    %mul3A_32 = vector.broadcast %mul3A_31 : f32 to vector<128x2048xf32>
    %mul3A_33 = arith.mulf %mul3A_32, %dot_general3A_30 : vector<128x2048xf32>
    %exp3A_34 = math.exp %mul3A_33 : vector<128x2048xf32>
    %reduce_sum3A_35 = arith.constant dense<0.000000e+00> : vector<128xf32>
    %reduce_sum3A_36 = vector.multi_reduction <add>, %exp3A_34, %reduce_sum3A_35 [1] : vector<128x2048xf32> to vector<128xf32>
    %broadcast_in_dim3A_37 = vector.shape_cast %reduce_sum3A_36 : vector<128xf32> to vector<128x1xf32>
    %div3A_38 = arith.constant 1.000000e+00 : f32
    %div3A_39 = vector.broadcast %div3A_38 : f32 to vector<128x1xf32>
    %div3A_40 = arith.divf %div3A_39, %broadcast_in_dim3A_37 : vector<128x1xf32>
    %mul3A_41 = vector.broadcast %div3A_40 : vector<128x1xf32> to vector<128x2048xf32>
    %mul3A_42 = arith.mulf %exp3A_34, %mul3A_41 : vector<128x2048xf32>
    %swap3A_43 = arith.constant 1 : index
    %swap3A_44 = arith.constant 0 : index
    %swap3A_45 = arith.constant 0 : index
    %swap3A_46 = vector.load %arg7[%swap3A_43, %swap3A_44, %swap3A_45] : memref<8x128x2048xf32, #tpu.memory_space<vmem>>, vector<1x128x2048xf32>
    %swap3A_47 = vector.shape_cast %swap3A_46 : vector<1x128x2048xf32> to vector<128x2048xf32>
    %swap3A_48 = vector.shape_cast %mul3A_42 : vector<128x2048xf32> to vector<1x128x2048xf32>
    tpu.vector_store %arg7[%swap3A_43, %swap3A_44, %swap3A_45], %swap3A_48 {strides = array<i32>} : memref<8x128x2048xf32, #tpu.memory_space<vmem>>, vector<1x128x2048xf32>,
    %add3A_49 = arith.addf %add3A, %mul3A_42 : vector<128x2048xf32>
    %get3A_50 = arith.constant 0 : index
    %get3A_51 = arith.constant 32 : index
    %get3A_52 = vector.load %arg3[%get3A_50, %get3A_51] : memref<2048x256xf32, #tpu.memory_space<vmem>>, vector<2048x32xf32>
    %dot_general3A_53 = arith.constant dense<0.000000e+00> : vector<128x32xf32>
    %dot_general3A_54 = tpu.matmul %mul3A_42, %get3A_52, %dot_general3A_53 {dimension_numbers = #tpu.dot_dimension_numbers<[1], [0], [0], [1], [0, 0, 1, 1], [], []>, transpose_lhs_hint = false} : vector<128x2048xf32>, vector<2048x32xf32>, vector<128x32xf32> -> vector<128x32xf32>
    %slice3A_55 = vector.extract_strided_slice %get3A_1 {offsets = [0, 64], sizes = [128, 32], strides = [1, 1]} : vector<128x256xf32> to vector<128x32xf32>
    %get3A_56 = arith.constant 64 : index
    %get3A_57 = arith.constant 0 : index
    %get3A_58 = vector.load %arg2[%get3A_56, %get3A_57] : memref<256x2048xf32, #tpu.memory_space<vmem>>, vector<32x2048xf32>
    %dot_general3A_59 = arith.constant dense<0.000000e+00> : vector<128x2048xf32>
    %dot_general3A_60 = tpu.matmul %slice3A_55, %get3A_58, %dot_general3A_59 {dimension_numbers = #tpu.dot_dimension_numbers<[1], [0], [0], [1], [0, 0, 1, 1], [], []>, transpose_lhs_hint = false} : vector<128x32xf32>, vector<32x2048xf32>, vector<128x2048xf32> -> vector<128x2048xf32>
    %mul3A_61 = arith.constant 0.176776692 : f32
    %mul3A_62 = vector.broadcast %mul3A_61 : f32 to vector<128x2048xf32>
    %mul3A_63 = arith.mulf %mul3A_62, %dot_general3A_60 : vector<128x2048xf32>
    %exp3A_64 = math.exp %mul3A_63 : vector<128x2048xf32>
    %reduce_sum3A_65 = arith.constant dense<0.000000e+00> : vector<128xf32>
    %reduce_sum3A_66 = vector.multi_reduction <add>, %exp3A_64, %reduce_sum3A_65 [1] : vector<128x2048xf32> to vector<128xf32>
    %broadcast_in_dim3A_67 = vector.shape_cast %reduce_sum3A_66 : vector<128xf32> to vector<128x1xf32>
    %div3A_68 = arith.constant 1.000000e+00 : f32
    %div3A_69 = vector.broadcast %div3A_68 : f32 to vector<128x1xf32>
    %div3A_70 = arith.divf %div3A_69, %broadcast_in_dim3A_67 : vector<128x1xf32>
    %mul3A_71 = vector.broadcast %div3A_70 : vector<128x1xf32> to vector<128x2048xf32>
    %mul3A_72 = arith.mulf %exp3A_64, %mul3A_71 : vector<128x2048xf32>
    %swap3A_73 = arith.constant 2 : index
    %swap3A_74 = arith.constant 0 : index
    %swap3A_75 = arith.constant 0 : index
    %swap3A_76 = vector.load %arg7[%swap3A_73, %swap3A_74, %swap3A_75] : memref<8x128x2048xf32, #tpu.memory_space<vmem>>, vector<1x128x2048xf32>
    %swap3A_77 = vector.shape_cast %swap3A_76 : vector<1x128x2048xf32> to vector<128x2048xf32>
    %swap3A_78 = vector.shape_cast %mul3A_72 : vector<128x2048xf32> to vector<1x128x2048xf32>
    tpu.vector_store %arg7[%swap3A_73, %swap3A_74, %swap3A_75], %swap3A_78 {strides = array<i32>} : memref<8x128x2048xf32, #tpu.memory_space<vmem>>, vector<1x128x2048xf32>,
    %add3A_79 = arith.addf %add3A_49, %mul3A_72 : vector<128x2048xf32>
    %get3A_80 = arith.constant 0 : index
    %get3A_81 = arith.constant 64 : index
    %get3A_82 = vector.load %arg3[%get3A_80, %get3A_81] : memref<2048x256xf32, #tpu.memory_space<vmem>>, vector<2048x32xf32>
    %dot_general3A_83 = arith.constant dense<0.000000e+00> : vector<128x32xf32>
    %dot_general3A_84 = tpu.matmul %mul3A_72, %get3A_82, %dot_general3A_83 {dimension_numbers = #tpu.dot_dimension_numbers<[1], [0], [0], [1], [0, 0, 1, 1], [], []>, transpose_lhs_hint = false} : vector<128x2048xf32>, vector<2048x32xf32>, vector<128x32xf32> -> vector<128x32xf32>
    %slice3A_85 = vector.extract_strided_slice %get3A_1 {offsets = [0, 96], sizes = [128, 32], strides = [1, 1]} : vector<128x256xf32> to vector<128x32xf32>
    %get3A_86 = arith.constant 96 : index
    %get3A_87 = arith.constant 0 : index
    %get3A_88 = vector.load %arg2[%get3A_86, %get3A_87] : memref<256x2048xf32, #tpu.memory_space<vmem>>, vector<32x2048xf32>
    %dot_general3A_89 = arith.constant dense<0.000000e+00> : vector<128x2048xf32>
    %dot_general3A_90 = tpu.matmul %slice3A_85, %get3A_88, %dot_general3A_89 {dimension_numbers = #tpu.dot_dimension_numbers<[1], [0], [0], [1], [0, 0, 1, 1], [], []>, transpose_lhs_hint = false} : vector<128x32xf32>, vector<32x2048xf32>, vector<128x2048xf32> -> vector<128x2048xf32>
    %mul3A_91 = arith.constant 0.176776692 : f32
    %mul3A_92 = vector.broadcast %mul3A_91 : f32 to vector<128x2048xf32>
    %mul3A_93 = arith.mulf %mul3A_92, %dot_general3A_90 : vector<128x2048xf32>
    %exp3A_94 = math.exp %mul3A_93 : vector<128x2048xf32>
    %reduce_sum3A_95 = arith.constant dense<0.000000e+00> : vector<128xf32>
    %reduce_sum3A_96 = vector.multi_reduction <add>, %exp3A_94, %reduce_sum3A_95 [1] : vector<128x2048xf32> to vector<128xf32>
    %broadcast_in_dim3A_97 = vector.shape_cast %reduce_sum3A_96 : vector<128xf32> to vector<128x1xf32>
    %div3A_98 = arith.constant 1.000000e+00 : f32
    %div3A_99 = vector.broadcast %div3A_98 : f32 to vector<128x1xf32>
    %div3A_100 = arith.divf %div3A_99, %broadcast_in_dim3A_97 : vector<128x1xf32>
    %mul3A_101 = vector.broadcast %div3A_100 : vector<128x1xf32> to vector<128x2048xf32>
    %mul3A_102 = arith.mulf %exp3A_94, %mul3A_101 : vector<128x2048xf32>
    %swap3A_103 = arith.constant 3 : index
    %swap3A_104 = arith.constant 0 : index
    %swap3A_105 = arith.constant 0 : index
    %swap3A_106 = vector.load %arg7[%swap3A_103, %swap3A_104, %swap3A_105] : memref<8x128x2048xf32, #tpu.memory_space<vmem>>, vector<1x128x2048xf32>
    %swap3A_107 = vector.shape_cast %swap3A_106 : vector<1x128x2048xf32> to vector<128x2048xf32>
    %swap3A_108 = vector.shape_cast %mul3A_102 : vector<128x2048xf32> to vector<1x128x2048xf32>
    tpu.vector_store %arg7[%swap3A_103, %swap3A_104, %swap3A_105], %swap3A_108 {strides = array<i32>} : memref<8x128x2048xf32, #tpu.memory_space<vmem>>, vector<1x128x2048xf32>,
    %add3A_109 = arith.addf %add3A_79, %mul3A_102 : vector<128x2048xf32>
    %get3A_110 = arith.constant 0 : index
    %get3A_111 = arith.constant 96 : index
    %get3A_112 = vector.load %arg3[%get3A_110, %get3A_111] : memref<2048x256xf32, #tpu.memory_space<vmem>>, vector<2048x32xf32>
    %dot_general3A_113 = arith.constant dense<0.000000e+00> : vector<128x32xf32>
    %dot_general3A_114 = tpu.matmul %mul3A_102, %get3A_112, %dot_general3A_113 {dimension_numbers = #tpu.dot_dimension_numbers<[1], [0], [0], [1], [0, 0, 1, 1], [], []>, transpose_lhs_hint = false} : vector<128x2048xf32>, vector<2048x32xf32>, vector<128x32xf32> -> vector<128x32xf32>
    %slice3A_115 = vector.extract_strided_slice %get3A_1 {offsets = [0, 128], sizes = [128, 32], strides = [1, 1]} : vector<128x256xf32> to vector<128x32xf32>
    %get3A_116 = arith.constant 128 : index
    %get3A_117 = arith.constant 0 : index
    %get3A_118 = vector.load %arg2[%get3A_116, %get3A_117] : memref<256x2048xf32, #tpu.memory_space<vmem>>, vector<32x2048xf32>
    %dot_general3A_119 = arith.constant dense<0.000000e+00> : vector<128x2048xf32>
    %dot_general3A_120 = tpu.matmul %slice3A_115, %get3A_118, %dot_general3A_119 {dimension_numbers = #tpu.dot_dimension_numbers<[1], [0], [0], [1], [0, 0, 1, 1], [], []>, transpose_lhs_hint = false} : vector<128x32xf32>, vector<32x2048xf32>, vector<128x2048xf32> -> vector<128x2048xf32>
    %mul3A_121 = arith.constant 0.176776692 : f32
    %mul3A_122 = vector.broadcast %mul3A_121 : f32 to vector<128x2048xf32>
    %mul3A_123 = arith.mulf %mul3A_122, %dot_general3A_120 : vector<128x2048xf32>
    %exp3A_124 = math.exp %mul3A_123 : vector<128x2048xf32>
    %reduce_sum3A_125 = arith.constant dense<0.000000e+00> : vector<128xf32>
    %reduce_sum3A_126 = vector.multi_reduction <add>, %exp3A_124, %reduce_sum3A_125 [1] : vector<128x2048xf32> to vector<128xf32>
    %broadcast_in_dim3A_127 = vector.shape_cast %reduce_sum3A_126 : vector<128xf32> to vector<128x1xf32>
    %div3A_128 = arith.constant 1.000000e+00 : f32
    %div3A_129 = vector.broadcast %div3A_128 : f32 to vector<128x1xf32>
    %div3A_130 = arith.divf %div3A_129, %broadcast_in_dim3A_127 : vector<128x1xf32>
    %mul3A_131 = vector.broadcast %div3A_130 : vector<128x1xf32> to vector<128x2048xf32>
    %mul3A_132 = arith.mulf %exp3A_124, %mul3A_131 : vector<128x2048xf32>
    %swap3A_133 = arith.constant 4 : index
    %swap3A_134 = arith.constant 0 : index
    %swap3A_135 = arith.constant 0 : index
    %swap3A_136 = vector.load %arg7[%swap3A_133, %swap3A_134, %swap3A_135] : memref<8x128x2048xf32, #tpu.memory_space<vmem>>, vector<1x128x2048xf32>
    %swap3A_137 = vector.shape_cast %swap3A_136 : vector<1x128x2048xf32> to vector<128x2048xf32>
    %swap3A_138 = vector.shape_cast %mul3A_132 : vector<128x2048xf32> to vector<1x128x2048xf32>
    tpu.vector_store %arg7[%swap3A_133, %swap3A_134, %swap3A_135], %swap3A_138 {strides = array<i32>} : memref<8x128x2048xf32, #tpu.memory_space<vmem>>, vector<1x128x2048xf32>,
    %add3A_139 = arith.addf %add3A_109, %mul3A_132 : vector<128x2048xf32>
    %get3A_140 = arith.constant 0 : index
    %get3A_141 = arith.constant 128 : index
    %get3A_142 = vector.load %arg3[%get3A_140, %get3A_141] : memref<2048x256xf32, #tpu.memory_space<vmem>>, vector<2048x32xf32>
    %dot_general3A_143 = arith.constant dense<0.000000e+00> : vector<128x32xf32>
    %dot_general3A_144 = tpu.matmul %mul3A_132, %get3A_142, %dot_general3A_143 {dimension_numbers = #tpu.dot_dimension_numbers<[1], [0], [0], [1], [0, 0, 1, 1], [], []>, transpose_lhs_hint = false} : vector<128x2048xf32>, vector<2048x32xf32>, vector<128x32xf32> -> vector<128x32xf32>
    %slice3A_145 = vector.extract_strided_slice %get3A_1 {offsets = [0, 160], sizes = [128, 32], strides = [1, 1]} : vector<128x256xf32> to vector<128x32xf32>
    %get3A_146 = arith.constant 160 : index
    %get3A_147 = arith.constant 0 : index
    %get3A_148 = vector.load %arg2[%get3A_146, %get3A_147] : memref<256x2048xf32, #tpu.memory_space<vmem>>, vector<32x2048xf32>
    %dot_general3A_149 = arith.constant dense<0.000000e+00> : vector<128x2048xf32>
    %dot_general3A_150 = tpu.matmul %slice3A_145, %get3A_148, %dot_general3A_149 {dimension_numbers = #tpu.dot_dimension_numbers<[1], [0], [0], [1], [0, 0, 1, 1], [], []>, transpose_lhs_hint = false} : vector<128x32xf32>, vector<32x2048xf32>, vector<128x2048xf32> -> vector<128x2048xf32>
    %mul3A_151 = arith.constant 0.176776692 : f32
    %mul3A_152 = vector.broadcast %mul3A_151 : f32 to vector<128x2048xf32>
    %mul3A_153 = arith.mulf %mul3A_152, %dot_general3A_150 : vector<128x2048xf32>
    %exp3A_154 = math.exp %mul3A_153 : vector<128x2048xf32>
    %reduce_sum3A_155 = arith.constant dense<0.000000e+00> : vector<128xf32>
    %reduce_sum3A_156 = vector.multi_reduction <add>, %exp3A_154, %reduce_sum3A_155 [1] : vector<128x2048xf32> to vector<128xf32>
    %broadcast_in_dim3A_157 = vector.shape_cast %reduce_sum3A_156 : vector<128xf32> to vector<128x1xf32>
    %div3A_158 = arith.constant 1.000000e+00 : f32
    %div3A_159 = vector.broadcast %div3A_158 : f32 to vector<128x1xf32>
    %div3A_160 = arith.divf %div3A_159, %broadcast_in_dim3A_157 : vector<128x1xf32>
    %mul3A_161 = vector.broadcast %div3A_160 : vector<128x1xf32> to vector<128x2048xf32>
    %mul3A_162 = arith.mulf %exp3A_154, %mul3A_161 : vector<128x2048xf32>
    %swap3A_163 = arith.constant 5 : index
    %swap3A_164 = arith.constant 0 : index
    %swap3A_165 = arith.constant 0 : index
    %swap3A_166 = vector.load %arg7[%swap3A_163, %swap3A_164, %swap3A_165] : memref<8x128x2048xf32, #tpu.memory_space<vmem>>, vector<1x128x2048xf32>
    %swap3A_167 = vector.shape_cast %swap3A_166 : vector<1x128x2048xf32> to vector<128x2048xf32>
    %swap3A_168 = vector.shape_cast %mul3A_162 : vector<128x2048xf32> to vector<1x128x2048xf32>
    tpu.vector_store %arg7[%swap3A_163, %swap3A_164, %swap3A_165], %swap3A_168 {strides = array<i32>} : memref<8x128x2048xf32, #tpu.memory_space<vmem>>, vector<1x128x2048xf32>,
    %add3A_169 = arith.addf %add3A_139, %mul3A_162 : vector<128x2048xf32>
    %get3A_170 = arith.constant 0 : index
    %get3A_171 = arith.constant 160 : index
    %get3A_172 = vector.load %arg3[%get3A_170, %get3A_171] : memref<2048x256xf32, #tpu.memory_space<vmem>>, vector<2048x32xf32>
    %dot_general3A_173 = arith.constant dense<0.000000e+00> : vector<128x32xf32>
    %dot_general3A_174 = tpu.matmul %mul3A_162, %get3A_172, %dot_general3A_173 {dimension_numbers = #tpu.dot_dimension_numbers<[1], [0], [0], [1], [0, 0, 1, 1], [], []>, transpose_lhs_hint = false} : vector<128x2048xf32>, vector<2048x32xf32>, vector<128x32xf32> -> vector<128x32xf32>
    %slice3A_175 = vector.extract_strided_slice %get3A_1 {offsets = [0, 192], sizes = [128, 32], strides = [1, 1]} : vector<128x256xf32> to vector<128x32xf32>
    %get3A_176 = arith.constant 192 : index
    %get3A_177 = arith.constant 0 : index
    %get3A_178 = vector.load %arg2[%get3A_176, %get3A_177] : memref<256x2048xf32, #tpu.memory_space<vmem>>, vector<32x2048xf32>
    %dot_general3A_179 = arith.constant dense<0.000000e+00> : vector<128x2048xf32>
    %dot_general3A_180 = tpu.matmul %slice3A_175, %get3A_178, %dot_general3A_179 {dimension_numbers = #tpu.dot_dimension_numbers<[1], [0], [0], [1], [0, 0, 1, 1], [], []>, transpose_lhs_hint = false} : vector<128x32xf32>, vector<32x2048xf32>, vector<128x2048xf32> -> vector<128x2048xf32>
    %mul3A_181 = arith.constant 0.176776692 : f32
    %mul3A_182 = vector.broadcast %mul3A_181 : f32 to vector<128x2048xf32>
    %mul3A_183 = arith.mulf %mul3A_182, %dot_general3A_180 : vector<128x2048xf32>
    %exp3A_184 = math.exp %mul3A_183 : vector<128x2048xf32>
    %reduce_sum3A_185 = arith.constant dense<0.000000e+00> : vector<128xf32>
    %reduce_sum3A_186 = vector.multi_reduction <add>, %exp3A_184, %reduce_sum3A_185 [1] : vector<128x2048xf32> to vector<128xf32>
    %broadcast_in_dim3A_187 = vector.shape_cast %reduce_sum3A_186 : vector<128xf32> to vector<128x1xf32>
    %div3A_188 = arith.constant 1.000000e+00 : f32
    %div3A_189 = vector.broadcast %div3A_188 : f32 to vector<128x1xf32>
    %div3A_190 = arith.divf %div3A_189, %broadcast_in_dim3A_187 : vector<128x1xf32>
    %mul3A_191 = vector.broadcast %div3A_190 : vector<128x1xf32> to vector<128x2048xf32>
    %mul3A_192 = arith.mulf %exp3A_184, %mul3A_191 : vector<128x2048xf32>
    %swap3A_193 = arith.constant 6 : index
    %swap3A_194 = arith.constant 0 : index
    %swap3A_195 = arith.constant 0 : index
    %swap3A_196 = vector.load %arg7[%swap3A_193, %swap3A_194, %swap3A_195] : memref<8x128x2048xf32, #tpu.memory_space<vmem>>, vector<1x128x2048xf32>
    %swap3A_197 = vector.shape_cast %swap3A_196 : vector<1x128x2048xf32> to vector<128x2048xf32>
    %swap3A_198 = vector.shape_cast %mul3A_192 : vector<128x2048xf32> to vector<1x128x2048xf32>
    tpu.vector_store %arg7[%swap3A_193, %swap3A_194, %swap3A_195], %swap3A_198 {strides = array<i32>} : memref<8x128x2048xf32, #tpu.memory_space<vmem>>, vector<1x128x2048xf32>,
    %add3A_199 = arith.addf %add3A_169, %mul3A_192 : vector<128x2048xf32>
    %get3A_200 = arith.constant 0 : index
    %get3A_201 = arith.constant 192 : index
    %get3A_202 = vector.load %arg3[%get3A_200, %get3A_201] : memref<2048x256xf32, #tpu.memory_space<vmem>>, vector<2048x32xf32>
    %dot_general3A_203 = arith.constant dense<0.000000e+00> : vector<128x32xf32>
    %dot_general3A_204 = tpu.matmul %mul3A_192, %get3A_202, %dot_general3A_203 {dimension_numbers = #tpu.dot_dimension_numbers<[1], [0], [0], [1], [0, 0, 1, 1], [], []>, transpose_lhs_hint = false} : vector<128x2048xf32>, vector<2048x32xf32>, vector<128x32xf32> -> vector<128x32xf32>
    %slice3A_205 = vector.extract_strided_slice %get3A_1 {offsets = [0, 224], sizes = [128, 32], strides = [1, 1]} : vector<128x256xf32> to vector<128x32xf32>
    %get3A_206 = arith.constant 224 : index
    %get3A_207 = arith.constant 0 : index
    %get3A_208 = vector.load %arg2[%get3A_206, %get3A_207] : memref<256x2048xf32, #tpu.memory_space<vmem>>, vector<32x2048xf32>
    %dot_general3A_209 = arith.constant dense<0.000000e+00> : vector<128x2048xf32>
    %dot_general3A_210 = tpu.matmul %slice3A_205, %get3A_208, %dot_general3A_209 {dimension_numbers = #tpu.dot_dimension_numbers<[1], [0], [0], [1], [0, 0, 1, 1], [], []>, transpose_lhs_hint = false} : vector<128x32xf32>, vector<32x2048xf32>, vector<128x2048xf32> -> vector<128x2048xf32>
    %mul3A_211 = arith.constant 0.176776692 : f32
    %mul3A_212 = vector.broadcast %mul3A_211 : f32 to vector<128x2048xf32>
    %mul3A_213 = arith.mulf %mul3A_212, %dot_general3A_210 : vector<128x2048xf32>
    %exp3A_214 = math.exp %mul3A_213 : vector<128x2048xf32>
    %reduce_sum3A_215 = arith.constant dense<0.000000e+00> : vector<128xf32>
    %reduce_sum3A_216 = vector.multi_reduction <add>, %exp3A_214, %reduce_sum3A_215 [1] : vector<128x2048xf32> to vector<128xf32>
    %broadcast_in_dim3A_217 = vector.shape_cast %reduce_sum3A_216 : vector<128xf32> to vector<128x1xf32>
    %div3A_218 = arith.constant 1.000000e+00 : f32
    %div3A_219 = vector.broadcast %div3A_218 : f32 to vector<128x1xf32>
    %div3A_220 = arith.divf %div3A_219, %broadcast_in_dim3A_217 : vector<128x1xf32>
    %mul3A_221 = vector.broadcast %div3A_220 : vector<128x1xf32> to vector<128x2048xf32>
    %mul3A_222 = arith.mulf %exp3A_214, %mul3A_221 : vector<128x2048xf32>
    %swap3A_223 = arith.constant 7 : index
    %swap3A_224 = arith.constant 0 : index
    %swap3A_225 = arith.constant 0 : index
    %swap3A_226 = vector.load %arg7[%swap3A_223, %swap3A_224, %swap3A_225] : memref<8x128x2048xf32, #tpu.memory_space<vmem>>, vector<1x128x2048xf32>
    %swap3A_227 = vector.shape_cast %swap3A_226 : vector<1x128x2048xf32> to vector<128x2048xf32>
    %swap3A_228 = vector.shape_cast %mul3A_222 : vector<128x2048xf32> to vector<1x128x2048xf32>
    tpu.vector_store %arg7[%swap3A_223, %swap3A_224, %swap3A_225], %swap3A_228 {strides = array<i32>} : memref<8x128x2048xf32, #tpu.memory_space<vmem>>, vector<1x128x2048xf32>,
    %add3A_229 = arith.addf %add3A_199, %mul3A_222 : vector<128x2048xf32>
    %get3A_230 = arith.constant 0 : index
    %get3A_231 = arith.constant 224 : index
    %get3A_232 = vector.load %arg3[%get3A_230, %get3A_231] : memref<2048x256xf32, #tpu.memory_space<vmem>>, vector<2048x32xf32>
    %dot_general3A_233 = arith.constant dense<0.000000e+00> : vector<128x32xf32>
    %dot_general3A_234 = tpu.matmul %mul3A_222, %get3A_232, %dot_general3A_233 {dimension_numbers = #tpu.dot_dimension_numbers<[1], [0], [0], [1], [0, 0, 1, 1], [], []>, transpose_lhs_hint = false} : vector<128x2048xf32>, vector<2048x32xf32>, vector<128x32xf32> -> vector<128x32xf32>
    %mul3A_235 = arith.constant 1.250000e-01 : f32
    %mul3A_236 = vector.broadcast %mul3A_235 : f32 to vector<128x2048xf32>
    %mul3A_237 = arith.mulf %add3A_229, %mul3A_236 : vector<128x2048xf32>
    %concatenate3A = tpu.concatenate %dot_general3A_24, %dot_general3A_54, %dot_general3A_84, %dot_general3A_114, %dot_general3A_144, %dot_general3A_174, %dot_general3A_204, %dot_general3A_234 in 1 : vector<128x32xf32>, vector<128x32xf32>, vector<128x32xf32>, vector<128x32xf32>, vector<128x32xf32>, vector<128x32xf32>, vector<128x32xf32>, vector<128x32xf32> -> vector<128x256xf32>
    %get3A_238 = arith.constant 0 : index
    %get3A_239 = arith.constant 0 : index
    %get3A_240 = vector.load %arg4[%get3A_238, %get3A_239] : memref<256x256xf32, #tpu.memory_space<vmem>>, vector<256x256xf32>
    %dot_general3A_241 = arith.constant dense<0.000000e+00> : vector<128x256xf32>
    %dot_general3A_242 = tpu.matmul %concatenate3A, %get3A_240, %dot_general3A_241 {dimension_numbers = #tpu.dot_dimension_numbers<[1], [0], [0], [1], [0, 0, 1, 1], [], []>, transpose_lhs_hint = false} : vector<128x256xf32>, vector<256x256xf32>, vector<128x256xf32> -> vector<128x256xf32>
    %get3A_243 = arith.constant 0 : index
    %get3A_244 = arith.constant 0 : index
    %get3A_245 = vector.load %arg5[%get3A_243, %get3A_244] : memref<1x256xf32, #tpu.memory_space<vmem>>, vector<1x256xf32>
    %add3A_246 = vector.broadcast %get3A_245 : vector<1x256xf32> to vector<128x256xf32>
    %add3A_247 = arith.addf %dot_general3A_242, %add3A_246 : vector<128x256xf32>
    %get3A_248 = arith.constant 0 : index
    %get3A_249 = arith.constant 0 : index
    %get3A_250 = vector.load %arg6[%get3A_248, %get3A_249] : memref<128x256xf32, #tpu.memory_space<vmem>>, vector<128x256xf32>
    %add3A_251 = arith.addf %add3A_247, %get3A_250 : vector<128x256xf32>
    %swap3A_252 = arith.constant 0 : index
    %swap3A_253 = arith.constant 0 : index
    %swap3A_254 = vector.load %arg8[%swap3A_252, %swap3A_253] : memref<128x256xf32, #tpu.memory_space<vmem>>, vector<128x256xf32>
    tpu.vector_store %arg8[%swap3A_252, %swap3A_253], %add3A_251 {strides = array<i32>} : memref<128x256xf32, #tpu.memory_space<vmem>>, vector<128x256xf32>,
    %iota3A = tpu.iota {dimensions = array<i32: 1>} : vector<128x2048xi32>
    %reduce_max3A = arith.constant dense<0xFF800000> : vector<128xf32>
    %reduce_max3A_255 = vector.multi_reduction <maximumf>, %mul3A_237, %reduce_max3A [1] : vector<128x2048xf32> to vector<128xf32>
    %broadcast_in_dim3A_256 = vector.shape_cast %reduce_max3A_255 : vector<128xf32> to vector<128x1xf32>
    %eq3A = vector.broadcast %broadcast_in_dim3A_256 : vector<128x1xf32> to vector<128x2048xf32>
    %eq3A_257 = arith.cmpf oeq, %mul3A_237, %eq3A : vector<128x2048xf32>
    %jit3A = arith.constant 2048 : i32
    %broadcast_in_dim3A_258 = vector.broadcast %jit3A : i32 to vector<128x2048xi32>
    %select_n3A = arith.select %eq3A_257, %iota3A, %broadcast_in_dim3A_258 : vector<128x2048xi1>, vector<128x2048xi32>
    %reduce_min3A = arith.constant dense<2147483647> : vector<128xi32>
    %reduce_min3A_259 = vector.multi_reduction <minsi>, %select_n3A, %reduce_min3A [1] : vector<128x2048xi32> to vector<128xi32>
    %broadcast_in_dim3A_260 = vector.shape_cast %reduce_min3A_259 : vector<128xi32> to vector<128x1xi32>
    %eq3A_261 = vector.broadcast %broadcast_in_dim3A_260 : vector<128x1xi32> to vector<128x2048xi32>
    %eq3A_262 = arith.cmpi eq, %iota3A, %eq3A_261 : vector<128x2048xi32>
    %jit3A_263 = arith.constant -1.000000e+00 : f32
    %broadcast_in_dim3A_264 = vector.broadcast %jit3A_263 : f32 to vector<128x2048xf32>
    %select_n3A_265 = arith.select %eq3A_262, %broadcast_in_dim3A_264, %mul3A_237 : vector<128x2048xi1>, vector<128x2048xf32>
    %reduce_max3A_266 = arith.constant dense<0xFF800000> : vector<128xf32>
    %reduce_max3A_267 = vector.multi_reduction <maximumf>, %select_n3A_265, %reduce_max3A_266 [1] : vector<128x2048xf32> to vector<128xf32>
    %broadcast_in_dim3A_268 = vector.shape_cast %reduce_max3A_267 : vector<128xf32> to vector<128x1xf32>
    %eq3A_269 = vector.broadcast %broadcast_in_dim3A_268 : vector<128x1xf32> to vector<128x2048xf32>
    %eq3A_270 = arith.cmpf oeq, %select_n3A_265, %eq3A_269 : vector<128x2048xf32>
    %jit3A_271 = arith.constant 2048 : i32
    %broadcast_in_dim3A_272 = vector.broadcast %jit3A_271 : i32 to vector<128x2048xi32>
    %select_n3A_273 = arith.select %eq3A_270, %iota3A, %broadcast_in_dim3A_272 : vector<128x2048xi1>, vector<128x2048xi32>
    %reduce_min3A_274 = arith.constant dense<2147483647> : vector<128xi32>
    %reduce_min3A_275 = vector.multi_reduction <minsi>, %select_n3A_273, %reduce_min3A_274 [1] : vector<128x2048xi32> to vector<128xi32>
    %broadcast_in_dim3A_276 = vector.shape_cast %reduce_min3A_275 : vector<128xi32> to vector<128x1xi32>
    %eq3A_277 = vector.broadcast %broadcast_in_dim3A_276 : vector<128x1xi32> to vector<128x2048xi32>
    %eq3A_278 = arith.cmpi eq, %iota3A, %eq3A_277 : vector<128x2048xi32>
    %jit3A_279 = arith.constant -1.000000e+00 : f32
    %broadcast_in_dim3A_280 = vector.broadcast %jit3A_279 : f32 to vector<128x2048xf32>
    %select_n3A_281 = arith.select %eq3A_278, %broadcast_in_dim3A_280, %select_n3A_265 : vector<128x2048xi1>, vector<128x2048xf32>
    %reduce_max3A_282 = arith.constant dense<0xFF800000> : vector<128xf32>
    %reduce_max3A_283 = vector.multi_reduction <maximumf>, %select_n3A_281, %reduce_max3A_282 [1] : vector<128x2048xf32> to vector<128xf32>
    %broadcast_in_dim3A_284 = vector.shape_cast %reduce_max3A_283 : vector<128xf32> to vector<128x1xf32>
    %eq3A_285 = vector.broadcast %broadcast_in_dim3A_284 : vector<128x1xf32> to vector<128x2048xf32>
    %eq3A_286 = arith.cmpf oeq, %select_n3A_281, %eq3A_285 : vector<128x2048xf32>
    %jit3A_287 = arith.constant 2048 : i32
    %broadcast_in_dim3A_288 = vector.broadcast %jit3A_287 : i32 to vector<128x2048xi32>
    %select_n3A_289 = arith.select %eq3A_286, %iota3A, %broadcast_in_dim3A_288 : vector<128x2048xi1>, vector<128x2048xi32>
    %reduce_min3A_290 = arith.constant dense<2147483647> : vector<128xi32>
    %reduce_min3A_291 = vector.multi_reduction <minsi>, %select_n3A_289, %reduce_min3A_290 [1] : vector<128x2048xi32> to vector<128xi32>
    %broadcast_in_dim3A_292 = vector.shape_cast %reduce_min3A_291 : vector<128xi32> to vector<128x1xi32>
    %eq3A_293 = vector.broadcast %broadcast_in_dim3A_292 : vector<128x1xi32> to vector<128x2048xi32>
    %eq3A_294 = arith.cmpi eq, %iota3A, %eq3A_293 : vector<128x2048xi32>
    %jit3A_295 = arith.constant -1.000000e+00 : f32
    %broadcast_in_dim3A_296 = vector.broadcast %jit3A_295 : f32 to vector<128x2048xf32>
    %select_n3A_297 = arith.select %eq3A_294, %broadcast_in_dim3A_296, %select_n3A_281 : vector<128x2048xi1>, vector<128x2048xf32>
    %reduce_max3A_298 = arith.constant dense<0xFF800000> : vector<128xf32>
    %reduce_max3A_299 = vector.multi_reduction <maximumf>, %select_n3A_297, %reduce_max3A_298 [1] : vector<128x2048xf32> to vector<128xf32>
    %broadcast_in_dim3A_300 = vector.shape_cast %reduce_max3A_299 : vector<128xf32> to vector<128x1xf32>
    %eq3A_301 = vector.broadcast %broadcast_in_dim3A_300 : vector<128x1xf32> to vector<128x2048xf32>
    %eq3A_302 = arith.cmpf oeq, %select_n3A_297, %eq3A_301 : vector<128x2048xf32>
    %jit3A_303 = arith.constant 2048 : i32
    %broadcast_in_dim3A_304 = vector.broadcast %jit3A_303 : i32 to vector<128x2048xi32>
    %select_n3A_305 = arith.select %eq3A_302, %iota3A, %broadcast_in_dim3A_304 : vector<128x2048xi1>, vector<128x2048xi32>
    %reduce_min3A_306 = arith.constant dense<2147483647> : vector<128xi32>
    %reduce_min3A_307 = vector.multi_reduction <minsi>, %select_n3A_305, %reduce_min3A_306 [1] : vector<128x2048xi32> to vector<128xi32>
    %broadcast_in_dim3A_308 = vector.shape_cast %reduce_min3A_307 : vector<128xi32> to vector<128x1xi32>
    %eq3A_309 = vector.broadcast %broadcast_in_dim3A_308 : vector<128x1xi32> to vector<128x2048xi32>
    %eq3A_310 = arith.cmpi eq, %iota3A, %eq3A_309 : vector<128x2048xi32>
    %jit3A_311 = arith.constant -1.000000e+00 : f32
    %broadcast_in_dim3A_312 = vector.broadcast %jit3A_311 : f32 to vector<128x2048xf32>
    %select_n3A_313 = arith.select %eq3A_310, %broadcast_in_dim3A_312, %select_n3A_297 : vector<128x2048xi1>, vector<128x2048xf32>
    %reduce_max3A_314 = arith.constant dense<0xFF800000> : vector<128xf32>
    %reduce_max3A_315 = vector.multi_reduction <maximumf>, %select_n3A_313, %reduce_max3A_314 [1] : vector<128x2048xf32> to vector<128xf32>
    %broadcast_in_dim3A_316 = vector.shape_cast %reduce_max3A_315 : vector<128xf32> to vector<128x1xf32>
    %eq3A_317 = vector.broadcast %broadcast_in_dim3A_316 : vector<128x1xf32> to vector<128x2048xf32>
    %eq3A_318 = arith.cmpf oeq, %select_n3A_313, %eq3A_317 : vector<128x2048xf32>
    %jit3A_319 = arith.constant 2048 : i32
    %broadcast_in_dim3A_320 = vector.broadcast %jit3A_319 : i32 to vector<128x2048xi32>
    %select_n3A_321 = arith.select %eq3A_318, %iota3A, %broadcast_in_dim3A_320 : vector<128x2048xi1>, vector<128x2048xi32>
    %reduce_min3A_322 = arith.constant dense<2147483647> : vector<128xi32>
    %reduce_min3A_323 = vector.multi_reduction <minsi>, %select_n3A_321, %reduce_min3A_322 [1] : vector<128x2048xi32> to vector<128xi32>
    %broadcast_in_dim3A_324 = vector.shape_cast %reduce_min3A_323 : vector<128xi32> to vector<128x1xi32>
    %eq3A_325 = vector.broadcast %broadcast_in_dim3A_324 : vector<128x1xi32> to vector<128x2048xi32>
    %eq3A_326 = arith.cmpi eq, %iota3A, %eq3A_325 : vector<128x2048xi32>
    %jit3A_327 = arith.constant -1.000000e+00 : f32
    %broadcast_in_dim3A_328 = vector.broadcast %jit3A_327 : f32 to vector<128x2048xf32>
    %select_n3A_329 = arith.select %eq3A_326, %broadcast_in_dim3A_328, %select_n3A_313 : vector<128x2048xi1>, vector<128x2048xf32>
    %reduce_max3A_330 = arith.constant dense<0xFF800000> : vector<128xf32>
    %reduce_max3A_331 = vector.multi_reduction <maximumf>, %select_n3A_329, %reduce_max3A_330 [1] : vector<128x2048xf32> to vector<128xf32>
    %broadcast_in_dim3A_332 = vector.shape_cast %reduce_max3A_331 : vector<128xf32> to vector<128x1xf32>
    %eq3A_333 = vector.broadcast %broadcast_in_dim3A_332 : vector<128x1xf32> to vector<128x2048xf32>
    %eq3A_334 = arith.cmpf oeq, %select_n3A_329, %eq3A_333 : vector<128x2048xf32>
    %jit3A_335 = arith.constant 2048 : i32
    %broadcast_in_dim3A_336 = vector.broadcast %jit3A_335 : i32 to vector<128x2048xi32>
    %select_n3A_337 = arith.select %eq3A_334, %iota3A, %broadcast_in_dim3A_336 : vector<128x2048xi1>, vector<128x2048xi32>
    %reduce_min3A_338 = arith.constant dense<2147483647> : vector<128xi32>
    %reduce_min3A_339 = vector.multi_reduction <minsi>, %select_n3A_337, %reduce_min3A_338 [1] : vector<128x2048xi32> to vector<128xi32>
    %broadcast_in_dim3A_340 = vector.shape_cast %reduce_min3A_339 : vector<128xi32> to vector<128x1xi32>
    %eq3A_341 = vector.broadcast %broadcast_in_dim3A_340 : vector<128x1xi32> to vector<128x2048xi32>
    %eq3A_342 = arith.cmpi eq, %iota3A, %eq3A_341 : vector<128x2048xi32>
    %jit3A_343 = arith.constant -1.000000e+00 : f32
    %broadcast_in_dim3A_344 = vector.broadcast %jit3A_343 : f32 to vector<128x2048xf32>
    %select_n3A_345 = arith.select %eq3A_342, %broadcast_in_dim3A_344, %select_n3A_329 : vector<128x2048xi1>, vector<128x2048xf32>
    %reduce_max3A_346 = arith.constant dense<0xFF800000> : vector<128xf32>
    %reduce_max3A_347 = vector.multi_reduction <maximumf>, %select_n3A_345, %reduce_max3A_346 [1] : vector<128x2048xf32> to vector<128xf32>
    %broadcast_in_dim3A_348 = vector.shape_cast %reduce_max3A_347 : vector<128xf32> to vector<128x1xf32>
    %eq3A_349 = vector.broadcast %broadcast_in_dim3A_348 : vector<128x1xf32> to vector<128x2048xf32>
    %eq3A_350 = arith.cmpf oeq, %select_n3A_345, %eq3A_349 : vector<128x2048xf32>
    %jit3A_351 = arith.constant 2048 : i32
    %broadcast_in_dim3A_352 = vector.broadcast %jit3A_351 : i32 to vector<128x2048xi32>
    %select_n3A_353 = arith.select %eq3A_350, %iota3A, %broadcast_in_dim3A_352 : vector<128x2048xi1>, vector<128x2048xi32>
    %reduce_min3A_354 = arith.constant dense<2147483647> : vector<128xi32>
    %reduce_min3A_355 = vector.multi_reduction <minsi>, %select_n3A_353, %reduce_min3A_354 [1] : vector<128x2048xi32> to vector<128xi32>
    %broadcast_in_dim3A_356 = vector.shape_cast %reduce_min3A_355 : vector<128xi32> to vector<128x1xi32>
    %eq3A_357 = vector.broadcast %broadcast_in_dim3A_356 : vector<128x1xi32> to vector<128x2048xi32>
    %eq3A_358 = arith.cmpi eq, %iota3A, %eq3A_357 : vector<128x2048xi32>
    %jit3A_359 = arith.constant -1.000000e+00 : f32
    %broadcast_in_dim3A_360 = vector.broadcast %jit3A_359 : f32 to vector<128x2048xf32>
    %select_n3A_361 = arith.select %eq3A_358, %broadcast_in_dim3A_360, %select_n3A_345 : vector<128x2048xi1>, vector<128x2048xf32>
    %reduce_max3A_362 = arith.constant dense<0xFF800000> : vector<128xf32>
    %reduce_max3A_363 = vector.multi_reduction <maximumf>, %select_n3A_361, %reduce_max3A_362 [1] : vector<128x2048xf32> to vector<128xf32>
    %broadcast_in_dim3A_364 = vector.shape_cast %reduce_max3A_363 : vector<128xf32> to vector<128x1xf32>
    %eq3A_365 = vector.broadcast %broadcast_in_dim3A_364 : vector<128x1xf32> to vector<128x2048xf32>
    %eq3A_366 = arith.cmpf oeq, %select_n3A_361, %eq3A_365 : vector<128x2048xf32>
    %jit3A_367 = arith.constant 2048 : i32
    %broadcast_in_dim3A_368 = vector.broadcast %jit3A_367 : i32 to vector<128x2048xi32>
    %select_n3A_369 = arith.select %eq3A_366, %iota3A, %broadcast_in_dim3A_368 : vector<128x2048xi1>, vector<128x2048xi32>
    %reduce_min3A_370 = arith.constant dense<2147483647> : vector<128xi32>
    %reduce_min3A_371 = vector.multi_reduction <minsi>, %select_n3A_369, %reduce_min3A_370 [1] : vector<128x2048xi32> to vector<128xi32>
    %broadcast_in_dim3A_372 = vector.shape_cast %reduce_min3A_371 : vector<128xi32> to vector<128x1xi32>
    %eq3A_373 = vector.broadcast %broadcast_in_dim3A_372 : vector<128x1xi32> to vector<128x2048xi32>
    %eq3A_374 = arith.cmpi eq, %iota3A, %eq3A_373 : vector<128x2048xi32>
    %jit3A_375 = arith.constant -1.000000e+00 : f32
    %broadcast_in_dim3A_376 = vector.broadcast %jit3A_375 : f32 to vector<128x2048xf32>
    %select_n3A_377 = arith.select %eq3A_374, %broadcast_in_dim3A_376, %select_n3A_361 : vector<128x2048xi1>, vector<128x2048xf32>
    %reduce_max3A_378 = arith.constant dense<0xFF800000> : vector<128xf32>
    %reduce_max3A_379 = vector.multi_reduction <maximumf>, %select_n3A_377, %reduce_max3A_378 [1] : vector<128x2048xf32> to vector<128xf32>
    %broadcast_in_dim3A_380 = vector.shape_cast %reduce_max3A_379 : vector<128xf32> to vector<128x1xf32>
    %eq3A_381 = vector.broadcast %broadcast_in_dim3A_380 : vector<128x1xf32> to vector<128x2048xf32>
    %eq3A_382 = arith.cmpf oeq, %select_n3A_377, %eq3A_381 : vector<128x2048xf32>
    %jit3A_383 = arith.constant 2048 : i32
    %broadcast_in_dim3A_384 = vector.broadcast %jit3A_383 : i32 to vector<128x2048xi32>
    %select_n3A_385 = arith.select %eq3A_382, %iota3A, %broadcast_in_dim3A_384 : vector<128x2048xi1>, vector<128x2048xi32>
    %reduce_min3A_386 = arith.constant dense<2147483647> : vector<128xi32>
    %reduce_min3A_387 = vector.multi_reduction <minsi>, %select_n3A_385, %reduce_min3A_386 [1] : vector<128x2048xi32> to vector<128xi32>
    %broadcast_in_dim3A_388 = vector.shape_cast %reduce_min3A_387 : vector<128xi32> to vector<128x1xi32>
    %eq3A_389 = vector.broadcast %broadcast_in_dim3A_388 : vector<128x1xi32> to vector<128x2048xi32>
    %eq3A_390 = arith.cmpi eq, %iota3A, %eq3A_389 : vector<128x2048xi32>
    %jit3A_391 = arith.constant -1.000000e+00 : f32
    %broadcast_in_dim3A_392 = vector.broadcast %jit3A_391 : f32 to vector<128x2048xf32>
    %select_n3A_393 = arith.select %eq3A_390, %broadcast_in_dim3A_392, %select_n3A_377 : vector<128x2048xi1>, vector<128x2048xf32>
    %reduce_max3A_394 = arith.constant dense<0xFF800000> : vector<128xf32>
    %reduce_max3A_395 = vector.multi_reduction <maximumf>, %select_n3A_393, %reduce_max3A_394 [1] : vector<128x2048xf32> to vector<128xf32>
    %broadcast_in_dim3A_396 = vector.shape_cast %reduce_max3A_395 : vector<128xf32> to vector<128x1xf32>
    %eq3A_397 = vector.broadcast %broadcast_in_dim3A_396 : vector<128x1xf32> to vector<128x2048xf32>
    %eq3A_398 = arith.cmpf oeq, %select_n3A_393, %eq3A_397 : vector<128x2048xf32>
    %jit3A_399 = arith.constant 2048 : i32
    %broadcast_in_dim3A_400 = vector.broadcast %jit3A_399 : i32 to vector<128x2048xi32>
    %select_n3A_401 = arith.select %eq3A_398, %iota3A, %broadcast_in_dim3A_400 : vector<128x2048xi1>, vector<128x2048xi32>
    %reduce_min3A_402 = arith.constant dense<2147483647> : vector<128xi32>
    %reduce_min3A_403 = vector.multi_reduction <minsi>, %select_n3A_401, %reduce_min3A_402 [1] : vector<128x2048xi32> to vector<128xi32>
    %broadcast_in_dim3A_404 = vector.shape_cast %reduce_min3A_403 : vector<128xi32> to vector<128x1xi32>
    %eq3A_405 = vector.broadcast %broadcast_in_dim3A_404 : vector<128x1xi32> to vector<128x2048xi32>
    %eq3A_406 = arith.cmpi eq, %iota3A, %eq3A_405 : vector<128x2048xi32>
    %jit3A_407 = arith.constant -1.000000e+00 : f32
    %broadcast_in_dim3A_408 = vector.broadcast %jit3A_407 : f32 to vector<128x2048xf32>
    %select_n3A_409 = arith.select %eq3A_406, %broadcast_in_dim3A_408, %select_n3A_393 : vector<128x2048xi1>, vector<128x2048xf32>
    %reduce_max3A_410 = arith.constant dense<0xFF800000> : vector<128xf32>
    %reduce_max3A_411 = vector.multi_reduction <maximumf>, %select_n3A_409, %reduce_max3A_410 [1] : vector<128x2048xf32> to vector<128xf32>
    %broadcast_in_dim3A_412 = vector.shape_cast %reduce_max3A_411 : vector<128xf32> to vector<128x1xf32>
    %eq3A_413 = vector.broadcast %broadcast_in_dim3A_412 : vector<128x1xf32> to vector<128x2048xf32>
    %eq3A_414 = arith.cmpf oeq, %select_n3A_409, %eq3A_413 : vector<128x2048xf32>
    %jit3A_415 = arith.constant 2048 : i32
    %broadcast_in_dim3A_416 = vector.broadcast %jit3A_415 : i32 to vector<128x2048xi32>
    %select_n3A_417 = arith.select %eq3A_414, %iota3A, %broadcast_in_dim3A_416 : vector<128x2048xi1>, vector<128x2048xi32>
    %reduce_min3A_418 = arith.constant dense<2147483647> : vector<128xi32>
    %reduce_min3A_419 = vector.multi_reduction <minsi>, %select_n3A_417, %reduce_min3A_418 [1] : vector<128x2048xi32> to vector<128xi32>
    %broadcast_in_dim3A_420 = vector.shape_cast %reduce_min3A_419 : vector<128xi32> to vector<128x1xi32>
    %eq3A_421 = vector.broadcast %broadcast_in_dim3A_420 : vector<128x1xi32> to vector<128x2048xi32>
    %eq3A_422 = arith.cmpi eq, %iota3A, %eq3A_421 : vector<128x2048xi32>
    %jit3A_423 = arith.constant -1.000000e+00 : f32
    %broadcast_in_dim3A_424 = vector.broadcast %jit3A_423 : f32 to vector<128x2048xf32>
    %select_n3A_425 = arith.select %eq3A_422, %broadcast_in_dim3A_424, %select_n3A_409 : vector<128x2048xi1>, vector<128x2048xf32>
    %reduce_max3A_426 = arith.constant dense<0xFF800000> : vector<128xf32>
    %reduce_max3A_427 = vector.multi_reduction <maximumf>, %select_n3A_425, %reduce_max3A_426 [1] : vector<128x2048xf32> to vector<128xf32>
    %broadcast_in_dim3A_428 = vector.shape_cast %reduce_max3A_427 : vector<128xf32> to vector<128x1xf32>
    %eq3A_429 = vector.broadcast %broadcast_in_dim3A_428 : vector<128x1xf32> to vector<128x2048xf32>
    %eq3A_430 = arith.cmpf oeq, %select_n3A_425, %eq3A_429 : vector<128x2048xf32>
    %jit3A_431 = arith.constant 2048 : i32
    %broadcast_in_dim3A_432 = vector.broadcast %jit3A_431 : i32 to vector<128x2048xi32>
    %select_n3A_433 = arith.select %eq3A_430, %iota3A, %broadcast_in_dim3A_432 : vector<128x2048xi1>, vector<128x2048xi32>
    %reduce_min3A_434 = arith.constant dense<2147483647> : vector<128xi32>
    %reduce_min3A_435 = vector.multi_reduction <minsi>, %select_n3A_433, %reduce_min3A_434 [1] : vector<128x2048xi32> to vector<128xi32>
    %broadcast_in_dim3A_436 = vector.shape_cast %reduce_min3A_435 : vector<128xi32> to vector<128x1xi32>
    %eq3A_437 = vector.broadcast %broadcast_in_dim3A_436 : vector<128x1xi32> to vector<128x2048xi32>
    %eq3A_438 = arith.cmpi eq, %iota3A, %eq3A_437 : vector<128x2048xi32>
    %jit3A_439 = arith.constant -1.000000e+00 : f32
    %broadcast_in_dim3A_440 = vector.broadcast %jit3A_439 : f32 to vector<128x2048xf32>
    %select_n3A_441 = arith.select %eq3A_438, %broadcast_in_dim3A_440, %select_n3A_425 : vector<128x2048xi1>, vector<128x2048xf32>
    %reduce_max3A_442 = arith.constant dense<0xFF800000> : vector<128xf32>
    %reduce_max3A_443 = vector.multi_reduction <maximumf>, %select_n3A_441, %reduce_max3A_442 [1] : vector<128x2048xf32> to vector<128xf32>
    %broadcast_in_dim3A_444 = vector.shape_cast %reduce_max3A_443 : vector<128xf32> to vector<128x1xf32>
    %eq3A_445 = vector.broadcast %broadcast_in_dim3A_444 : vector<128x1xf32> to vector<128x2048xf32>
    %eq3A_446 = arith.cmpf oeq, %select_n3A_441, %eq3A_445 : vector<128x2048xf32>
    %jit3A_447 = arith.constant 2048 : i32
    %broadcast_in_dim3A_448 = vector.broadcast %jit3A_447 : i32 to vector<128x2048xi32>
    %select_n3A_449 = arith.select %eq3A_446, %iota3A, %broadcast_in_dim3A_448 : vector<128x2048xi1>, vector<128x2048xi32>
    %reduce_min3A_450 = arith.constant dense<2147483647> : vector<128xi32>
    %reduce_min3A_451 = vector.multi_reduction <minsi>, %select_n3A_449, %reduce_min3A_450 [1] : vector<128x2048xi32> to vector<128xi32>
    %broadcast_in_dim3A_452 = vector.shape_cast %reduce_min3A_451 : vector<128xi32> to vector<128x1xi32>
    %eq3A_453 = vector.broadcast %broadcast_in_dim3A_452 : vector<128x1xi32> to vector<128x2048xi32>
    %eq3A_454 = arith.cmpi eq, %iota3A, %eq3A_453 : vector<128x2048xi32>
    %jit3A_455 = arith.constant -1.000000e+00 : f32
    %broadcast_in_dim3A_456 = vector.broadcast %jit3A_455 : f32 to vector<128x2048xf32>
    %select_n3A_457 = arith.select %eq3A_454, %broadcast_in_dim3A_456, %select_n3A_441 : vector<128x2048xi1>, vector<128x2048xf32>
    %reduce_max3A_458 = arith.constant dense<0xFF800000> : vector<128xf32>
    %reduce_max3A_459 = vector.multi_reduction <maximumf>, %select_n3A_457, %reduce_max3A_458 [1] : vector<128x2048xf32> to vector<128xf32>
    %broadcast_in_dim3A_460 = vector.shape_cast %reduce_max3A_459 : vector<128xf32> to vector<128x1xf32>
    %eq3A_461 = vector.broadcast %broadcast_in_dim3A_460 : vector<128x1xf32> to vector<128x2048xf32>
    %eq3A_462 = arith.cmpf oeq, %select_n3A_457, %eq3A_461 : vector<128x2048xf32>
    %jit3A_463 = arith.constant 2048 : i32
    %broadcast_in_dim3A_464 = vector.broadcast %jit3A_463 : i32 to vector<128x2048xi32>
    %select_n3A_465 = arith.select %eq3A_462, %iota3A, %broadcast_in_dim3A_464 : vector<128x2048xi1>, vector<128x2048xi32>
    %reduce_min3A_466 = arith.constant dense<2147483647> : vector<128xi32>
    %reduce_min3A_467 = vector.multi_reduction <minsi>, %select_n3A_465, %reduce_min3A_466 [1] : vector<128x2048xi32> to vector<128xi32>
    %broadcast_in_dim3A_468 = vector.shape_cast %reduce_min3A_467 : vector<128xi32> to vector<128x1xi32>
    %eq3A_469 = vector.broadcast %broadcast_in_dim3A_468 : vector<128x1xi32> to vector<128x2048xi32>
    %eq3A_470 = arith.cmpi eq, %iota3A, %eq3A_469 : vector<128x2048xi32>
    %jit3A_471 = arith.constant -1.000000e+00 : f32
    %broadcast_in_dim3A_472 = vector.broadcast %jit3A_471 : f32 to vector<128x2048xf32>
    %select_n3A_473 = arith.select %eq3A_470, %broadcast_in_dim3A_472, %select_n3A_457 : vector<128x2048xi1>, vector<128x2048xf32>
    %reduce_max3A_474 = arith.constant dense<0xFF800000> : vector<128xf32>
    %reduce_max3A_475 = vector.multi_reduction <maximumf>, %select_n3A_473, %reduce_max3A_474 [1] : vector<128x2048xf32> to vector<128xf32>
    %broadcast_in_dim3A_476 = vector.shape_cast %reduce_max3A_475 : vector<128xf32> to vector<128x1xf32>
    %eq3A_477 = vector.broadcast %broadcast_in_dim3A_476 : vector<128x1xf32> to vector<128x2048xf32>
    %eq3A_478 = arith.cmpf oeq, %select_n3A_473, %eq3A_477 : vector<128x2048xf32>
    %jit3A_479 = arith.constant 2048 : i32
    %broadcast_in_dim3A_480 = vector.broadcast %jit3A_479 : i32 to vector<128x2048xi32>
    %select_n3A_481 = arith.select %eq3A_478, %iota3A, %broadcast_in_dim3A_480 : vector<128x2048xi1>, vector<128x2048xi32>
    %reduce_min3A_482 = arith.constant dense<2147483647> : vector<128xi32>
    %reduce_min3A_483 = vector.multi_reduction <minsi>, %select_n3A_481, %reduce_min3A_482 [1] : vector<128x2048xi32> to vector<128xi32>
    %broadcast_in_dim3A_484 = vector.shape_cast %reduce_min3A_483 : vector<128xi32> to vector<128x1xi32>
    %eq3A_485 = vector.broadcast %broadcast_in_dim3A_484 : vector<128x1xi32> to vector<128x2048xi32>
    %eq3A_486 = arith.cmpi eq, %iota3A, %eq3A_485 : vector<128x2048xi32>
    %jit3A_487 = arith.constant -1.000000e+00 : f32
    %broadcast_in_dim3A_488 = vector.broadcast %jit3A_487 : f32 to vector<128x2048xf32>
    %select_n3A_489 = arith.select %eq3A_486, %broadcast_in_dim3A_488, %select_n3A_473 : vector<128x2048xi1>, vector<128x2048xf32>
    %reduce_max3A_490 = arith.constant dense<0xFF800000> : vector<128xf32>
    %reduce_max3A_491 = vector.multi_reduction <maximumf>, %select_n3A_489, %reduce_max3A_490 [1] : vector<128x2048xf32> to vector<128xf32>
    %broadcast_in_dim3A_492 = vector.shape_cast %reduce_max3A_491 : vector<128xf32> to vector<128x1xf32>
    %eq3A_493 = vector.broadcast %broadcast_in_dim3A_492 : vector<128x1xf32> to vector<128x2048xf32>
    %eq3A_494 = arith.cmpf oeq, %select_n3A_489, %eq3A_493 : vector<128x2048xf32>
    %jit3A_495 = arith.constant 2048 : i32
    %broadcast_in_dim3A_496 = vector.broadcast %jit3A_495 : i32 to vector<128x2048xi32>
    %select_n3A_497 = arith.select %eq3A_494, %iota3A, %broadcast_in_dim3A_496 : vector<128x2048xi1>, vector<128x2048xi32>
    %reduce_min3A_498 = arith.constant dense<2147483647> : vector<128xi32>
    %reduce_min3A_499 = vector.multi_reduction <minsi>, %select_n3A_497, %reduce_min3A_498 [1] : vector<128x2048xi32> to vector<128xi32>
    %broadcast_in_dim3A_500 = vector.shape_cast %reduce_min3A_499 : vector<128xi32> to vector<128x1xi32>
    %concatenate3A_501 = tpu.concatenate %broadcast_in_dim3A_260, %broadcast_in_dim3A_276, %broadcast_in_dim3A_292, %broadcast_in_dim3A_308, %broadcast_in_dim3A_324, %broadcast_in_dim3A_340, %broadcast_in_dim3A_356, %broadcast_in_dim3A_372, %broadcast_in_dim3A_388, %broadcast_in_dim3A_404, %broadcast_in_dim3A_420, %broadcast_in_dim3A_436, %broadcast_in_dim3A_452, %broadcast_in_dim3A_468, %broadcast_in_dim3A_484, %broadcast_in_dim3A_500 in 1 : vector<128x1xi32>, vector<128x1xi32>, vector<128x1xi32>, vector<128x1xi32>, vector<128x1xi32>, vector<128x1xi32>, vector<128x1xi32>, vector<128x1xi32>, vector<128x1xi32>, vector<128x1xi32>, vector<128x1xi32>, vector<128x1xi32>, vector<128x1xi32>, vector<128x1xi32>, vector<128x1xi32>, vector<128x1xi32> -> vector<128x16xi32>
    %swap3A_502 = arith.constant 0 : index
    %swap3A_503 = arith.constant 0 : index
    %swap3A_504 = vector.load %arg9[%swap3A_502, %swap3A_503] : memref<128x16xi32, #tpu.memory_space<vmem>>, vector<128x16xi32>
    tpu.vector_store %arg9[%swap3A_502, %swap3A_503], %concatenate3A_501 {strides = array<i32>} : memref<128x16xi32, #tpu.memory_space<vmem>>, vector<128x16xi32>,
    return
  }
  func.func @transform_0(%arg0: i32) -> (i32, i32) {
    %c0_i32 = arith.constant 0 : i32
    %c0_i32_0 = arith.constant 0 : i32
    return %arg0, %c0_i32 : i32, i32
  }
  func.func @transform_1(%arg0: i32) -> (i32, i32) {
    %c0_i32 = arith.constant 0 : i32
    %c0_i32_0 = arith.constant 0 : i32
    %c0_i32_1 = arith.constant 0 : i32
    return %c0_i32, %c0_i32_0 : i32, i32
  }
  func.func @transform_2(%arg0: i32) -> (i32, i32) {
    %c0_i32 = arith.constant 0 : i32
    %c0_i32_0 = arith.constant 0 : i32
    %c0_i32_1 = arith.constant 0 : i32
    return %c0_i32, %c0_i32_0 : i32, i32
  }
  func.func @transform_3(%arg0: i32) -> (i32, i32) {
    %c0_i32 = arith.constant 0 : i32
    %c0_i32_0 = arith.constant 0 : i32
    %c0_i32_1 = arith.constant 0 : i32
    return %c0_i32, %c0_i32_0 : i32, i32
  }
  func.func @transform_4(%arg0: i32) -> (i32, i32) {
    %c0_i32 = arith.constant 0 : i32
    %c0_i32_0 = arith.constant 0 : i32
    %c0_i32_1 = arith.constant 0 : i32
    return %c0_i32, %c0_i32_0 : i32, i32
  }
  func.func @transform_5(%arg0: i32) -> (i32, i32) {
    %c0_i32 = arith.constant 0 : i32
    %c0_i32_0 = arith.constant 0 : i32
    return %arg0, %c0_i32 : i32, i32
  }
  func.func @transform_6(%arg0: i32) -> (i32, i32, i32) {
    %c0_i32 = arith.constant 0 : i32
    %c0_i32_0 = arith.constant 0 : i32
    %c0_i32_1 = arith.constant 0 : i32
    return %c0_i32, %arg0, %c0_i32_0 : i32, i32, i32
  }
  func.func @transform_7(%arg0: i32) -> (i32, i32) {
    %c0_i32 = arith.constant 0 : i32
    %c0_i32_0 = arith.constant 0 : i32
    return %arg0, %c0_i32 : i32, i32
  }
  func.func @transform_8(%arg0: i32) -> (i32, i32) {
    %c0_i32 = arith.constant 0 : i32
    %c0_i32_0 = arith.constant 0 : i32
    return %arg0, %c0_i32 : i32, i32
  }
}

</mosaic_0001>

<sc_bundles>
// kernel: sparse-core-data-format-call.cloned.1.call-start
scs
called_computation_lowered:
.L_overlay_start_0:
0x0: {  	s2 =	sld [smem:$0x3FD9]  }
0x1: {  	s3 =	sld [smem:$0x3FFE];
	_ =	sdelay $0x1  }
0x2: {  	s1 =	srdreg.scid  }
0x3: {  	s0 =	sand.u32 $0x1, s1  }
0x4: {  	s15 =	sshll.u32 s0, $0xA;
	s2 =	sadd.s32 s3, s2  }
0x5: {  	s2 =	sadd.s32 s2, s15  }
0x6: {  	[smem:$0x3FC2] =	sst s2  }
0x7: {  	_ = 	snop  }
0x8: {  	s2 =	sld [smem:$0x3FD0];
	_ =	sdelay $0x2  }
0x9: {  	s16 =	simm.s32 $0xA;
	s4 =	simm.s32 $0x10  }
0xa: {  	[smem:s4], [sflag:s16] =	dma.local [hbm:s2], $0x1  }
0xb: {  	_ =	swait.eq [sflag:s16], $0x1  }
0xc: {  	[sflag:s16] =	ssyncset.done $0x0  }
0xd: {  	[sflag:s16] =	ssyncadd.s32 $0xFFFFFFFF  }
0xe: {  	s17 =	sld [smem:$0x10];
	(tm) =	ssettm $0x1  }
0xf: {  	s18 =	sld [smem:$0x3FFB];
	_ =	sdelay $0x3  }
0x10: {  	_ =	strace s18  }
0x11: {  	s3 =	sld [smem:$0x3FFC];
	_ =	sdelay $0x3  }
0x12: {  	_ =	strace s3  }
0x13: {  	s3 =	sld [smem:$0x3FFD];
	_ =	sdelay $0x3  }
0x14: {  	_ =	strace s3  }
0x15: {  	_ =	strace $0x8FFFFFFF  }
0x16: {  	s19 =	sld [smem:$0x3FDB];
	_ =	sdelay $0x1  }
0x17: {  	s20 =	simm.s32 $_scs_section_size  }
0x18: {  	s5 =	simm.s32 $_size__tile_overlayer_lowered;
	s6 =	simm.s32 $_tile_overlayer_lowered  }
0x19: {  	s23 =	simm.s32 $0x1BFF;
	s22 =	sshll.u32 s6, $0x1;
	s3 =	sadd.s32 s20, s19  }
0x1a: {  	s7 =	simm.s32 $0x0;
	s21 =	sshll.u32 s5, $0x1;
	s5 =	sadd.s32 s22, s3  }
0x1b: {  	[timem:s7], [sflag:s23] =	dma.local [hbm:s5], s21  }
0x1c: {  	_ =	swait.ge [sflag:s23], s21  }
0x1d: {  	s4 =	ssub.s32 $0x0, s21;
	[sflag:s23] =	ssyncset.done $0x0  }
0x1e: {  	[sflag:s23] =	ssyncadd.s32 s4;
	_ =	sdelay $0x1  }
0x1f: {  	s24 =	simm.s32 $0x1B8B  }
0x20: {  	_ =	swait.ge [sflag:s24], $0x1  }
0x21: {  	[sflag:s24] =	ssyncset.done $0x0  }
0x22: {  	s26 =	simm.s32 $0x1B8E;
	s25 =	sld [smem:$0x3FFE];
	[sflag:s24] =	ssyncadd.s32 $0xFFFFFFFF  }
0x23: {  	s27 =	simm.s32 $execute0_lowered;
	[smem:$0x3FD2] =	sst s26  }
0x24: {  	s5 =	sshll.u32 s27, $0x1;
	_ =	strace $0x80000046;
	[dreg:$0x1] =	wrdreg $0xFFFFFFFF  }
0x25: {  	s28 =	simm.s32 $_size_execute0_lowered;
	s3 =	sadd.s32 s3, s5;
	[dreg:$0x0] =	wrdreg $0x0  }
0x26: {  	s5 =	sshll.u32 s28, $0x1;
	[dreg:$0x2] =	wrdreg s3  }
0x27: {  	[dreg:$0x3] =	wrdreg s5  }
0x28: {  	[dreg:$0x4] =	wrdreg $0xC0  }
0x29: {  	_ =	task [dreg:s7], $0x5FFFF  }
0x2a: {  	[dreg:$0x1] =	wrdreg $0xFFFFFFFF  }
0x2b: {  	[dreg:$0x0] =	wrdreg $0x60  }
0x2c: {  	[dreg:$0x2] =	wrdreg s25  }
0x2d: {  	[dreg:$0x3] =	wrdreg s17  }
0x2e: {  	[dreg:$0x4] =	wrdreg $0x9  }
0x2f: {  	_ =	task.clear_ibuf [dreg:s7], $0x5FFFF;
	_ =	strace $0x90000046  }
0x30: {  	s29 =	simm.s32 $0x9;
	_ =	strace $0x80000048  }
0x31: {  	_ =	swait.ge [sflag:s29], $0x1  }
0x32: {  	[sflag:s29] =	ssyncadd.s32 $0xFFFFFFFF  }
0x33: {  	_ =	strace $0x90000048  }
0x34: {  	_ =	sfence  }
0x35: {  	s30 =	sld [smem:$0x0];
	_ =	sdelay $0x2  }
0x36: {  	s31 =	sshll.u32 s1, $0xD;
	s1 =	sshrl.u32 s1, $0x2  }
0x37: {  	s3 =	sand.u32 $0x4000, s31;
	s1 =	sadd.s32 s1, s30  }
0x38: {  	s0 =	sor.u32 s3, s0;
	s1 =	sshll.u32 s1, $0x11  }
0x39: {  	s0 =	sor.u32 s1, s0  }
0x3a: {  	s0 =	sadd.s32 $0x8F2B, s0  }
0x3b: {  	[sflag:s0] =	ssyncadd.remote.s32 $0x1  }
0x3c: {  	_ =	sfence.sel $0xFFFF  }
0x3d: {  	[dreg:$0x0] =	wrdreg $0xFFFFFFFF;
	(pc) =	sbr.abs _section_cstart, $3  }
0x3e: {  	[dreg:$0x1] =	wrdreg $0xFFFFFFFF  }
0x3f: {  	_ =	task.clear_ibuf [dreg:s7], $0x2FFFF;
	_ =	strace $0x9FFFFFFF  }
0x40: {  	(tm) =	ssettm $0x7FFFFFFF  }
0x41: {  	_ =	shalt  }
tec
execute0_lowered:
.L_overlay_start_1:
0x0: {  	(tag) =	ssettag $0x1  }
0x1: {  	s0 =	stileid.u32;
	s4 =	rddreg [dreg:$0x0]  }
0x2: {  	s1 =	srdreg.scid;
	s3 =	rddreg [dreg:$0x1];
	s7 =	simm.s32 $0x1  }
0x3: {  	s31 =	simm.s32 $0x2;
	s2 =	sshll.u32 s0, $0x4;
	s1 =	sshll.u32 s1, $0x8  }
0x4: {  	s15 =	simm.s32 $0x0;
	s9 =	simm.s32 $0x4000;
	s1 =	sor.u32 s2, s1  }
0x5: {  	s10 =	simm.s32 $0x0;
	s16 =	simm.s32 $0x0;
	s2 =	sand.u32 $0x180, s1  }
0x6: {  	s17 =	simm.s32 $0x0;
	s11 =	simm.s32 $0x0;
	s5 =	ssub.s32 $0x800, s2  }
0x7: {  	s14 =	simm.s32 $0x0;
	s4 =	sadd.s32 $0x1000, s4;
	s6 =	sand.u32 $0x180, s5  }
.Ltmp0:
0x8: {  	s1 =	rddreg [dreg:$0x2];
	p0 =	sne.s32 s6, $0x0;
	(pc) =	sbr.rel .LBB1_1-.Ltmp0, $4  }
0x9: {  	_ =	strace $0x80000047;
	s8 =	sshrl.u32 s5, $0x9;
	s7 =	simm.s32 @!p0 $0x0  }
0xa: {  	s12 =	smov.u32 s2;
	s6 =	simm.s32 $0x1;
	s7 =	sadd.s32 s7, s8  }
0xb: {  	s5 =	sand.u32 $0x7, s0;
	[sflag:s6] =	ssyncpa.u1 $0x0;
	s7 =	sshll.u32 s7, $0x4  }
0xc: {  	s13 =	smov.u32 s5;
	[sflag:s31] =	ssyncpa.u1 $0x0;
	s8 =	sor.u32 $0x1, s7  }
.LBB1_4:
0xd: {  	_ =	sdelay $0x3  }
0xe: {  	[tilespmem:v0+s20+$0xFFFFFFA0 ss:$0x1] =	vst.idx.msk $0xffff, v6  }
0xf: {  	v56 =	vld.idx.msk [tilespmem:v1+s19+$0x30 ss:$0x1], $0xffff;
	[tilespmem:v0+s20+$0xFFFFFFB0 ss:$0x1] =	vst.idx.msk $0xffff, v4  }
0x10: {  	v57 =	vld.idx.msk [tilespmem:v1+s19+$0xFFFFFFC0 ss:$0x1], $0xffff;
	[tilespmem:v0+s20+$0xFFFFFFC0 ss:$0x1] =	vst.idx.msk $0xffff, v2  }
0x11: {  	v58 =	vld.idx.msk [tilespmem:v1+s19+$0xFFFFFFD0 ss:$0x1], $0xffff;
	[tilespmem:v0+s20+$0xFFFFFFD0 ss:$0x1] =	vst.idx.msk $0xffff, v3  }
0x12: {  	v59 =	vld.idx.msk [tilespmem:v1+s19+$0xFFFFFFE0 ss:$0x1], $0xffff;
	[tilespmem:v0+s20+$0xFFFFFFE0 ss:$0x1] =	vst.idx.msk $0xffff, v5  }
0x13: {  	v60 =	vld.idx.msk [tilespmem:v1+s19+$0xFFFFFFF0 ss:$0x1], $0xffff;
	[tilespmem:v0+s20+$0xFFFFFFF0 ss:$0x1] =	vst.idx.msk $0xffff, v7  }
0x14: {  	v61 =	vld.idx.msk [tilespmem:v1+s19+$0x0 ss:$0x1], $0xffff;
	[tilespmem:v0+s19+$0x0 ss:$0x1] =	vst.idx.msk $0xffff, v56  }
0x15: {  	v62 =	vld.idx.msk [tilespmem:v1+s19+$0x10 ss:$0x1], $0xffff;
	[tilespmem:v0+s19+$0xFFFFFF90 ss:$0x1] =	vst.idx.msk $0xffff, v57  }
0x16: {  	s17 =	sshll.u32 s17, $0x7;
	v63 =	vld.idx.msk [tilespmem:v1+s19+$0x20 ss:$0x1], $0xffff;
	s28 =	sand.u32 $0x78, s15;
	[tilespmem:v0+s19+$0xFFFFFFA0 ss:$0x1] =	vst.idx.msk $0xffff, v58  }
0x17: {  	s21 =	sshll.u32 s15, $0x3;
	s16 =	sshll.u32 s16, $0xB;
	s17 =	sand.u32 $0x380, s17;
	[tilespmem:v0+s19+$0xFFFFFFB0 ss:$0x1] =	vst.idx.msk $0xffff, v59  }
0x18: {  	s30 =	sand.u32 $0x700, s15;
	s29 =	sand.u32 $0x400, s21;
	s17 =	sor.u32 s17, s28;
	[tilespmem:v0+s19+$0xFFFFFFC0 ss:$0x1] =	vst.idx.msk $0xffff, v60  }
0x19: {  	s31 =	sand.u32 $0x7, s15;
	s16 =	sadd.s32 s3, s16;
	s17 =	sor.u32 s29, s17;
	[tilespmem:v0+s19+$0xFFFFFFD0 ss:$0x1] =	vst.idx.msk $0xffff, v61  }
0x1a: {  	s15 =	sshll.u32 s31, $0x12;
	s16 =	sadd.s32 s30, s16;
	s17 =	sshrl.u32 s17, $0x3;
	[tilespmem:v0+s19+$0xFFFFFFE0 ss:$0x1] =	vst.idx.msk $0xffff, v62  }
0x1b: {  	s15 =	sor.u32 $0x80, s15;
	[tilespmem:v0+s19+$0xFFFFFFF0 ss:$0x1] =	vst.idx.msk $0xffff, v63;
	s16 =	sadd.s32 s17, s16  }
0x1c: {  	[hbm4b:s16+s15] =	stream.strided.scatter [tilespmem:s18], [sflag:$0x2], $0x4000, s9, s15, $0x38;
	[tilespmem:$0x10000] =	vst v63  }
.LBB1_5:
0x1d: {  	s18 =	sadd.s32 $0x80, s11  }
0x1e: {  	s15 =	sadd.s32 $0x200, s12;
	s19 =	smov.u32 s12;
	p1 =	sgt.s32 s18, $0x7FF  }
0x1f: {  	s19 =	smov.u32 @p1 s15  }
0x20: {  	s21 =	smov.u32 s13;
	s15 =	sadd.s32 $0x8, s13;
	p2 =	sgt.s32 s19, $0x7FF  }
0x21: {  	s21 =	smov.u32 @p2 s15  }
0x22: {  	s18 =	simm.s32 @p1 $0x0;
	p1 =	sgt.s32 s21, $0x7  }
0x23: {  	p0 =	slt.u32 s14, $0x2;
	s21 =	smov.u32 @p1 s5;
	p1 =	sne.s32 s14, s8  }
.Ltmp1:
0x24: {  	s20 =	simm.s32 @!p0 $0x2;
	(pc) =	sbr.rel @!p1 .LBB1_6-.Ltmp1, $4  }
0x25: {  	s16 =	smov.u32 s12;
	s17 =	smov.u32 s13;
	_ =	swait.ge @!p0 [sflag:s20], $0x4000  }
0x26: {  	s10 =	sadd.s32 $0x4000, s10;
	[sflag:s20] =	ssyncset.done @!p0 $0x0;
	s19 =	smov.u32 @p2 s2  }
0x27: {  	s15 =	smov.u32 s11;
	[sflag:s20] =	ssyncadd.s32 @!p0 $0xFFFFC000;
	s11 =	smov.u32 s18  }
0x28: {  	s12 =	smov.u32 s19;
	s14 =	sadd.s32 $0x1, s14;
	s13 =	smov.u32 s21  }
.LBB1_1:
0x29: {  	p0 =	sge.u32 s14, s7;
	s31 =	sadd.s32 $0xFFFFFFFF, s14  }
0x2a: {  	s18 =	sxor.u32 @!p0 $0xFFFFFFFF, s14;
	s19 =	sand.u32 @!p0 $0x78, s11;
	s20 =	sshll.u32 @!p0 s12, $0xB  }
0x2b: {  	s21 =	sshll.u32 @!p0 s12, $0x7;
	s22 =	sshll.u32 @!p0 s11, $0x3;
	s18 =	sshll.u32 @!p0 s18, $0xE  }
0x2c: {  	s20 =	sand.u32 @!p0 $0x3FC000, s20;
	s21 =	sand.u32 @!p0 $0x380, s21;
	s18 =	sand.u32 @!p0 $0x4000, s18  }
0x2d: {  	s20 =	sadd.s32 @!p0 s20, s22;
	s22 =	sand.u32 @!p0 $0x400, s22;
	s19 =	sor.u32 @!p0 s21, s19  }
0x2e: {  	s21 =	sshll.u32 @!p0 s13, $0x13;
	s19 =	sor.u32 @!p0 s22, s19;
	s20 =	sshrl.u32 @!p0 s20, $0x3  }
0x2f: {  	s21 =	sadd.s32 @!p0 s4, s21;
	s22 =	sand.u32 @!p0 $0x7, s11;
	s20 =	sand.u32 @!p0 $0x7FF00, s20  }
0x30: {  	s19 =	sshrl.u32 @!p0 s19, $0x3;
	s20 =	sadd.s32 @!p0 s20, s21;
	s21 =	sshll.u32 @!p0 s22, $0x12  }
0x31: {  	s19 =	sadd.s32 @!p0 s19, s20;
	s20 =	sor.u32 @!p0 $0x400, s21;
	s21 =	simm.s32 @!p0 $0x4000  }
0x32: {  	[tilespmem:s18], [sflag:$0x1] =	stream.strided.gather @!p0 [hbm4b:s19+s20], $0x4000, s21, s20, $0x38;
	[tilespmem:$0x10000] =	vst v63  }
0x33: {  	p0 =	sge.u32 s31, s7  }
.Ltmp2:
0x34: {  	_ = 	snop;
	(pc) =	sbr.rel @p0 .LBB1_5-.Ltmp2, $1  }
0x35: {  	_ =	sdelay $0x3  }
0x36: {  	s18 =	sand.u32 $0x4000, s10  }
0x37: {  	s19 =	sor.u32 $0x40, s18  }
0x38: {  	v1 =	vmov s19;
	_ =	sdelay $0x1  }
0x39: {  	_ =	swait.ge [sflag:s6], $0x4000  }
0x3a: {  	[sflag:s6] =	ssyncset.done $0x0  }
0x3b: {  	s20 =	simm.s32 $0x0;
	[sflag:s6] =	ssyncadd.s32 $0xFFFFC000  }
0x3c: {  	s18 =	sor.u32 $0x8070, s18;
	v7 =	vld.idx.msk [tilespmem:v1+s20+$0x30 ss:$0x1], $0xffff  }
0x3d: {  	v0 =	vmov s18;
	v8 =	vld.idx.msk [tilespmem:v1+s20+$0xFFFFFFC0 ss:$0x1], $0xffff  }
0x3e: {  	v6 =	vld.idx.msk [tilespmem:v1+s20+$0xFFFFFFD0 ss:$0x1], $0xffff  }
0x3f: {  	v4 =	vld.idx.msk [tilespmem:v1+s20+$0xFFFFFFE0 ss:$0x1], $0xffff  }
0x40: {  	v2 =	vld.idx.msk [tilespmem:v1+s20+$0xFFFFFFF0 ss:$0x1], $0xffff  }
0x41: {  	s31 =	sshll.u32 s14, $0xE;
	v3 =	vld.idx.msk [tilespmem:v1+s20+$0x0 ss:$0x1], $0xffff  }
0x42: {  	s18 =	sand.u32 $0x4000, s31;
	v5 =	vld.idx.msk [tilespmem:v1+s20+$0x10 ss:$0x1], $0xffff;
	[tilespmem:v0+s20+$0x0 ss:$0x1] =	vst.idx.msk $0xffff, v7  }
0x43: {  	s21 =	simm.s32 $0x400;
	s19 =	simm.s32 $0x80;
	s18 =	sor.u32 $0x8000, s18;
	[tilespmem:v0+s20+$0xFFFFFF90 ss:$0x1] =	vst.idx.msk $0xffff, v8;
	v7 =	vld.idx.msk [tilespmem:v1+s20+$0x20 ss:$0x1], $0xffff  }
.LBB1_3:
0x44: {  	p0 =	sne.s32 s21, $0xFE00;
	v8 =	vld.idx.msk [tilespmem:v1+s19+$0x30 ss:$0x1], $0xffff;
	[tilespmem:v0+s20+$0xFFFFFFA0 ss:$0x1] =	vst.idx.msk $0xffff, v6  }
0x45: {  	v9 =	vld.idx.msk [tilespmem:v1+s19+$0xFFFFFFC0 ss:$0x1], $0xffff;
	[tilespmem:v0+s20+$0xFFFFFFB0 ss:$0x1] =	vst.idx.msk $0xffff, v4  }
0x46: {  	v6 =	vld.idx.msk [tilespmem:v1+s19+$0xFFFFFFD0 ss:$0x1], $0xffff;
	[tilespmem:v0+s20+$0xFFFFFFC0 ss:$0x1] =	vst.idx.msk $0xffff, v2  }
.Ltmp3:
0x47: {  	v4 =	vld.idx.msk [tilespmem:v1+s19+$0xFFFFFFE0 ss:$0x1], $0xffff;
	[tilespmem:v0+s20+$0xFFFFFFD0 ss:$0x1] =	vst.idx.msk $0xffff, v3;
	(pc) =	sbr.rel @p0 .LBB1_3-.Ltmp3, $4  }
0x48: {  	v2 =	vld.idx.msk [tilespmem:v1+s19+$0xFFFFFFF0 ss:$0x1], $0xffff;
	[tilespmem:v0+s20+$0xFFFFFFE0 ss:$0x1] =	vst.idx.msk $0xffff, v5  }
0x49: {  	v3 =	vld.idx.msk [tilespmem:v1+s19+$0x0 ss:$0x1], $0xffff;
	[tilespmem:v0+s20+$0xFFFFFFF0 ss:$0x1] =	vst.idx.msk $0xffff, v7;
	s20 =	smov.u32 s19  }
0x4a: {  	v5 =	vld.idx.msk [tilespmem:v1+s20+$0x10 ss:$0x1], $0xffff;
	[tilespmem:v0+s20+$0x0 ss:$0x1] =	vst.idx.msk $0xffff, v8  }
0x4b: {  	s19 =	sshra.s32 s21, $0x2;
	s21 =	sadd.s32 $0x200, s21;
	[tilespmem:v0+s20+$0xFFFFFF90 ss:$0x1] =	vst.idx.msk $0xffff, v9;
	v7 =	vld.idx.msk [tilespmem:v1+s20+$0x20 ss:$0x1], $0xffff  }
.Ltmp4:
0x4c: {  	_ = 	snop;
	(pc) =	sbr.rel .LBB1_4-.Ltmp4, $1  }
0x4d: {  	_ =	sdelay $0x3  }
.LBB1_6:
0x4e: {  	_ =	sfence.sel $0x180000  }
0x4f: {  	s2 =	simm.s32 $0x1;
	[bflag:$0x0] =	sbarrier.arrive $0xFFFF  }
0x50: {  	s31 =	simm.s32 $0x2;
	[sflag:s2] =	ssyncpa.u1 $0x1  }
0x51: {  	[sflag:s31] =	ssyncpa.u1 $0x1  }
0x52: {  	p0 =	sne.s32 s0, $0x0;
	_ =	strace $0x90000047  }
0x53: {  	s0 =	sadd.s32 @!p0 $0x100000, s1;
	[bflag:$0x2] =	sbarrier.arrive $0xFFFF  }
0x54: {  	[sflag:s0] =	ssyncadd.tile.s32 @!p0 $0x1;
	_ =	shalt  }
.Lfunc_end1:
_tile_overlayer_lowered:
.L_overlay_start_2:
0x55: {  	(tag) =	ssettag $0x2  }
0x56: {  	s0 =	rddreg [dreg:$0x0];
	s2 =	stileid.u32  }
0x57: {  	s1 =	rddreg [dreg:$0x1];
	p0 =	sne.s32 s2, $0x0  }
0x58: {  	s3 =	rddreg [dreg:$0x2];
	[bflag:$0x3] =	sbarrier.arrive $0xFFFF;
	s2 =	simm.s32 @!p0 $0x1C01  }
0x59: {  	[timem:s3], [sflag:s2] =	dma.local @!p0 [hbm:s0], s1  }
0x5a: {  	s0 =	simm.s32 @!p0 $0x1  }
0x5b: {  	_ =	swait.ge @!p0 [sflag:s0], s1  }
0x5c: {  	s1 =	ssub.s32 @!p0 $0x0, s1;
	[sflag:s0] =	ssyncset.done @!p0 $0x0  }
0x5d: {  	[sflag:s0] =	ssyncadd.s32 @!p0 s1  }
0x5e: {  	[bflag:$0x3] =	sbarrier.arrive $0xFFFF  }
0x5f: {  	_ =	shalt  }

</sc_bundles>
